<compile_context>
chip_gen: v7x
topology: tpu7x:2x2x1
jax: 0.10.2.dev20260603
libtpu: 0.0.44.dev20260713+nightly
codegen_flags: <defaults>
</compile_context>

<pallas_src>
import functools

import jax
import jax.numpy as jnp
from jax import lax
from jax.experimental import pallas as pl
from jax.experimental.pallas import tpu as pltpu
from jax.experimental.pallas import tpu_sc as plsc

N_ATOMS = 320000
NUM_BLOCKS = 32000
NUM_GRAPHS = 64
HIDDEN = 128
N_LEVELS = 50

ATILE = 1280
NTILES = N_ATOMS // ATILE

BCHUNK = 3200
NBSTEPS = NUM_BLOCKS // BCHUNK

_NC, _NS = 2, 16
_NW = _NC * _NS
_CH = 1000
_GSTEPS = N_ATOMS // (_NW * _CH)
_RPS = NUM_BLOCKS // _NS


def _silu(x):
    return x * jax.nn.sigmoid(x)


def _bf(x):
    return x.astype(jnp.bfloat16)


def _iota16():
    return lax.broadcasted_iota(jnp.int32, (16,), 0)


def _sc_gather_body(tablet_hbm, idx_hbm, out_hbm, idx_v, plane_v, sem):
    wid = lax.axis_index("s") * _NC + lax.axis_index("c")
    base = wid * (_CH * _GSTEPS)

    def step(j, carry):
        off = base + j * _CH
        pltpu.sync_copy(idx_hbm.at[pl.ds(off, _CH)], idx_v)
        for f in range(4):
            pltpu.async_copy(tablet_hbm.at[f].at[idx_v], plane_v, sem).wait()
            pltpu.sync_copy(plane_v, out_hbm.at[f, pl.ds(off, _CH)])
        return carry

    lax.fori_loop(0, _GSTEPS, step, 0)


def _sc_gather(tablet, idx):
    return pl.kernel(
        _sc_gather_body,
        out_type=jax.ShapeDtypeStruct((4, N_ATOMS), jnp.float32),
        mesh=plsc.VectorSubcoreMesh(core_axis_name="c", subcore_axis_name="s",
                                    num_cores=_NC, num_subcores=_NS),
        scratch_types=[
            pltpu.VMEM((_CH,), jnp.int32),
            pltpu.VMEM((_CH,), jnp.float32),
            pltpu.SemaphoreType.DMA,
        ],
        compiler_params=pltpu.CompilerParams(use_tc_tiling_on_sc=False,
                                             needs_layout_passes=False),
    )(tablet, idx)


def _sc_scatter_add(predt, idx, zeros, ones_atoms):
    def body(predt_hbm, idx_hbm, zeros_hbm, ones_hbm, out_hbm, idx_v,
             plane_v, one_v, acc_sh, sem):
        cid = lax.axis_index("c")
        sid = lax.axis_index("s")

        @pl.when(sid == 0)
        def _():
            pltpu.sync_copy(zeros_hbm, acc_sh)

        base = (cid * _NS + sid) * (_CH * _GSTEPS)
        pltpu.sync_copy(ones_hbm.at[pl.ds(0, _CH)], one_v)
        plsc.subcore_barrier()

        def step(j, carry):
            off = base + j * _CH
            pltpu.sync_copy(idx_hbm.at[pl.ds(off, _CH)], idx_v)
            for f in range(3):
                pltpu.sync_copy(predt_hbm.at[f, pl.ds(off, _CH)], plane_v)
                pltpu.sync_copy(plane_v, acc_sh.at[f].at[idx_v], add=True)
            pltpu.sync_copy(one_v, acc_sh.at[3].at[idx_v], add=True)
            return carry

        lax.fori_loop(0, _GSTEPS, step, 0)
        plsc.subcore_barrier()
        for f in range(4):
            pltpu.sync_copy(acc_sh.at[f, pl.ds(sid * _RPS, _RPS)],
                            out_hbm.at[cid, f, pl.ds(sid * _RPS, _RPS)])

    return pl.kernel(
        body,
        out_type=jax.ShapeDtypeStruct((_NC, 4, NUM_BLOCKS), jnp.float32),
        mesh=plsc.VectorSubcoreMesh(core_axis_name="c", subcore_axis_name="s",
                                    num_cores=_NC, num_subcores=_NS),
        scratch_types=[
            pltpu.VMEM((_CH,), jnp.int32),
            pltpu.VMEM((_CH,), jnp.float32),
            pltpu.VMEM((_CH,), jnp.float32),
            pltpu.VMEM_SHARED((4, NUM_BLOCKS), jnp.float32),
            pltpu.SemaphoreType.DMA,
        ],
        compiler_params=pltpu.CompilerParams(use_tc_tiling_on_sc=False,
                                             needs_layout_passes=False),
    )(predt, idx, zeros, ones_atoms)



def _sc_hist(block_idx, batch_idx, zeros, ones_atoms):
    def body(bid_hbm, gid_hbm, zeros_hbm, ones_hbm, out_hbm, idx_v, one_v,
             acc_sh, sem):
        cid = lax.axis_index("c")
        sid = lax.axis_index("s")

        @pl.when(sid == 0)
        def _():
            pltpu.sync_copy(zeros_hbm, acc_sh)

        wid = cid * _NS + sid
        base = wid * (_CH * _GSTEPS)
        pltpu.sync_copy(ones_hbm.at[pl.ds(0, _CH)], one_v)
        plsc.subcore_barrier()

        def step(j, carry):
            off = base + j * _CH
            pltpu.sync_copy(bid_hbm.at[pl.ds(off, _CH)], idx_v)
            pltpu.sync_copy(one_v, acc_sh.at[0].at[idx_v], add=True)
            return carry

        lax.fori_loop(0, _GSTEPS, step, 0)
        pltpu.sync_copy(gid_hbm.at[pl.ds(wid * _CH, _CH)], idx_v)
        pltpu.sync_copy(one_v, acc_sh.at[1].at[idx_v], add=True)
        plsc.subcore_barrier()
        for p in range(2):
            pltpu.sync_copy(acc_sh.at[p, pl.ds(sid * _RPS, _RPS)],
                            out_hbm.at[cid, p, pl.ds(sid * _RPS, _RPS)])

    return pl.kernel(
        body,
        out_type=jax.ShapeDtypeStruct((_NC, 2, NUM_BLOCKS), jnp.float32),
        mesh=plsc.VectorSubcoreMesh(core_axis_name="c", subcore_axis_name="s",
                                    num_cores=_NC, num_subcores=_NS),
        scratch_types=[
            pltpu.VMEM((_CH,), jnp.int32),
            pltpu.VMEM((_CH,), jnp.float32),
            pltpu.VMEM_SHARED((2, NUM_BLOCKS), jnp.float32),
            pltpu.SemaphoreType.DMA,
        ],
        compiler_params=pltpu.CompilerParams(use_tc_tiling_on_sc=False,
                                             needs_layout_passes=False),
    )(block_idx, batch_idx, zeros, ones_atoms)


PCHUNK = 3200
NPSTEPS = NUM_BLOCKS // PCHUNK


def _prep_body(c_ref, nb64_ref, nl_ref, sig_ref, brow_ref, bcol_ref,
               noiset_ref, tablet_ref, apg_ref):
    i = pl.program_id(0)

    @pl.when(i == 0)
    def _():
        apg_ref[...] = jnp.zeros_like(apg_ref)

    nl_row = nl_ref[...]
    lev_col = lax.broadcasted_iota(jnp.int32, (N_LEVELS, NUM_GRAPHS), 0)
    onehot_nl = (lev_col == nl_row).astype(jnp.float32)
    sig_g = jnp.dot(sig_ref[...], onehot_nl,
                    preferred_element_type=jnp.float32)
    brow = brow_ref[...]
    gcol = lax.broadcasted_iota(jnp.int32, (NUM_GRAPHS, PCHUNK), 0)
    og = (gcol == brow).astype(jnp.float32)
    sig_b = jnp.dot(sig_g, og, preferred_element_type=jnp.float32)
    nb_b = jnp.dot(nb64_ref[...], og, preferred_element_type=jnp.float32)
    c_row = c_ref[...]
    wb = 1.0 / (jnp.maximum(c_row, 1.0) * jnp.maximum(nb_b, 1.0))
    tablet_ref[...] = jnp.concatenate(
        [noiset_ref[...] * sig_b, wb], axis=0)
    bcol = bcol_ref[...]
    grow = lax.broadcasted_iota(jnp.int32, (PCHUNK, NUM_GRAPHS), 1)
    ogt = (grow == bcol).astype(jnp.float32)
    apg_ref[...] += jnp.dot(c_row, ogt, preferred_element_type=jnp.float32)


def _prep(c_row, nb64, nl_row, sig_row, brow, bcol, noiset):
    return pl.pallas_call(
        _prep_body,
        grid=(NPSTEPS,),
        in_specs=[
            pl.BlockSpec((1, PCHUNK), lambda i: (0, i)),
            pl.BlockSpec((1, NUM_GRAPHS), lambda i: (0, 0)),
            pl.BlockSpec((1, NUM_GRAPHS), lambda i: (0, 0)),
            pl.BlockSpec((1, N_LEVELS), lambda i: (0, 0)),
            pl.BlockSpec((1, PCHUNK), lambda i: (0, i)),
            pl.BlockSpec((PCHUNK, 1), lambda i: (i, 0)),
            pl.BlockSpec((3, PCHUNK), lambda i: (0, i)),
        ],
        out_specs=[
            pl.BlockSpec((4, PCHUNK), lambda i: (0, i)),
            pl.BlockSpec((1, NUM_GRAPHS), lambda i: (0, 0)),
        ],
        out_shape=[
            jax.ShapeDtypeStruct((4, NUM_BLOCKS), jnp.float32),
            jax.ShapeDtypeStruct((1, NUM_GRAPHS), jnp.float32),
        ],
    )(c_row, nb64, nl_row, sig_row, brow, bcol, noiset)


def _fused_body(z_ref, g_ref, abound_ref, h_ref, wenc_ref, wpos_ref,
                woutt_ref, predt_ref, gacc_ref):
    i = pl.program_id(0)

    @pl.when(i == 0)
    def _():
        gacc_ref[...] = jnp.zeros_like(gacc_ref)

    g = g_ref[...]
    x = jnp.dot(_bf(h_ref[...]), _bf(wenc_ref[...]),
                preferred_element_type=jnp.float32)
    x = x + jnp.dot(z_ref[...], wpos_ref[...],
                    preferred_element_type=jnp.float32)
    x = x + lax.dot_general(g[0:3, :], wpos_ref[...],
                            dimension_numbers=(((0,), (0,)), ((), ())),
                            preferred_element_type=jnp.float32)
    u = _silu(x)
    predt_ref[...] = lax.dot_general(
        woutt_ref[...], u,
        dimension_numbers=(((1,), (1,)), ((), ())),
        preferred_element_type=jnp.float32)
    aidx = (i * ATILE
            + lax.broadcasted_iota(jnp.int32, (NUM_GRAPHS, ATILE), 1))
    bound = abound_ref[...]
    onehot_t = ((aidx >= bound[0:NUM_GRAPHS, :])
                & (aidx < bound[1:NUM_GRAPHS + 1, :])).astype(jnp.float32)
    owt = onehot_t * g[3:4, :]
    gacc_ref[...] += jnp.dot(_bf(owt), _bf(u),
                             preferred_element_type=jnp.float32)


def _finalize_body(sp0_ref, sp1_ref, noiset_ref, gacc_ref, w1_ref, b1_ref,
                   w2_ref, b2_ref, energy_ref, loss_ref):
    i = pl.program_id(0)

    @pl.when(i == 0)
    def _():
        loss_ref[...] = jnp.zeros_like(loss_ref)

    sp = sp0_ref[...] + sp1_ref[...]
    c = sp[3:4, :]
    m = (c > 0.0).astype(jnp.float32)
    d = sp[0:3, :] / jnp.maximum(c, 1.0) + noiset_ref[...] * m
    loss_ref[...] += (jnp.sum(d * d) / (NUM_BLOCKS * 3.0)).reshape(1, 1)

    @pl.when(i == NBSTEPS - 1)
    def _():
        hg = _silu(jnp.dot(gacc_ref[...], w1_ref[...],
                           preferred_element_type=jnp.float32) + b1_ref[...])
        energy_ref[...] = jnp.dot(hg, w2_ref[...],
                                  preferred_element_type=jnp.float32) \
            + b2_ref[...]


@jax.jit
def kernel(Z, H, noise, sigmas, W_enc, W_pos, W_out, W1, b1, W2, b2,
           block_id, batch_id, noise_level):
    f32 = jnp.float32
    hist = _sc_hist(block_id, batch_id, jnp.zeros((2, NUM_BLOCKS), f32),
                    jnp.ones((_CH,), f32))
    c_row = (hist[0, 0] + hist[1, 0]).reshape(1, NUM_BLOCKS)
    nb64 = (hist[0, 1, :NUM_GRAPHS]
            + hist[1, 1, :NUM_GRAPHS]).reshape(1, NUM_GRAPHS)
    noiset = noise.T
    tablet, apg = _prep(c_row, nb64, noise_level.reshape(1, NUM_GRAPHS),
                        sigmas.reshape(1, N_LEVELS),
                        batch_id.reshape(1, NUM_BLOCKS),
                        batch_id.reshape(NUM_BLOCKS, 1), noiset)
    abound = jnp.concatenate(
        [jnp.zeros((1,), f32), jnp.cumsum(apg[0])]).astype(
            jnp.int32).reshape(NUM_GRAPHS + 1, 1)

    g4 = _sc_gather(tablet, block_id)

    predt, graph_repr = pl.pallas_call(
        _fused_body,
        grid=(NTILES,),
        in_specs=[
            pl.BlockSpec((ATILE, 3), lambda i: (i, 0)),
            pl.BlockSpec((4, ATILE), lambda i: (0, i)),
            pl.BlockSpec((NUM_GRAPHS + 1, 1), lambda i: (0, 0)),
            pl.BlockSpec((ATILE, HIDDEN), lambda i: (i, 0)),
            pl.BlockSpec((HIDDEN, HIDDEN), lambda i: (0, 0)),
            pl.BlockSpec((3, HIDDEN), lambda i: (0, 0)),
            pl.BlockSpec((3, HIDDEN), lambda i: (0, 0)),
        ],
        out_specs=[
            pl.BlockSpec((3, ATILE), lambda i: (0, i)),
            pl.BlockSpec((NUM_GRAPHS, HIDDEN), lambda i: (0, 0)),
        ],
        out_shape=[
            jax.ShapeDtypeStruct((3, N_ATOMS), f32),
            jax.ShapeDtypeStruct((NUM_GRAPHS, HIDDEN), f32),
        ],
    )(Z, g4, abound, H, W_enc, W_pos, W_out.T)

    sp = _sc_scatter_add(predt, block_id, jnp.zeros((4, NUM_BLOCKS), f32),
                         jnp.ones((_CH,), f32))

    energy2, loss2 = pl.pallas_call(
        _finalize_body,
        grid=(NBSTEPS,),
        in_specs=[
            pl.BlockSpec((4, BCHUNK), lambda i: (0, i)),
            pl.BlockSpec((4, BCHUNK), lambda i: (0, i)),
            pl.BlockSpec((3, BCHUNK), lambda i: (0, i)),
            pl.BlockSpec((NUM_GRAPHS, HIDDEN), lambda i: (0, 0)),
            pl.BlockSpec((HIDDEN, HIDDEN), lambda i: (0, 0)),
            pl.BlockSpec((1, HIDDEN), lambda i: (0, 0)),
            pl.BlockSpec((HIDDEN, 1), lambda i: (0, 0)),
            pl.BlockSpec((1, 1), lambda i: (0, 0)),
        ],
        out_specs=[
            pl.BlockSpec((NUM_GRAPHS, 1), lambda i: (0, 0)),
            pl.BlockSpec((1, 1), lambda i: (0, 0)),
        ],
        out_shape=[
            jax.ShapeDtypeStruct((NUM_GRAPHS, 1), f32),
            jax.ShapeDtypeStruct((1, 1), f32),
        ],
    )(sp[0], sp[1], noiset, graph_repr, W1, b1[None, :], W2, b2[None, :])

    return energy2[:, 0], graph_repr, loss2[0, 0]

# --- scband reference (transcript-rebuilt; emitter-appended) ---
"""Pipeline reference for scband-predictor-nnnmodel-42116449305124 (READ-ONLY COPY).

The authoritative reference and input builder live on the scoring server;
editing this copy changes nothing except your own understanding.
"""

import jax, jax.numpy as jnp
import numpy as np

N_ATOMS = 320000
NUM_BLOCKS = 32000
NUM_GRAPHS = 64
HIDDEN = 128
N_LEVELS = 50


def _silu(x):
    return x * jax.nn.sigmoid(x)


def _seg_mean(x, ids, num):
    s = jax.ops.segment_sum(x, ids, num_segments=num)
    c = jax.ops.segment_sum(jnp.ones((x.shape[0],), x.dtype), ids, num_segments=num)
    return s / jnp.maximum(c, 1.0)[:, None]


def setup_inputs(seed: int = 0) -> dict:
    key = jax.random.key(seed)
    ks = jax.random.split(key, 12)
    Z = jax.random.normal(ks[0], (N_ATOMS, 3), jnp.float32)
    H = jax.random.normal(ks[1], (N_ATOMS, HIDDEN), jnp.float32)
    block_id = jnp.sort(jax.random.randint(ks[2], (N_ATOMS,), 0, NUM_BLOCKS, dtype=jnp.int32))
    batch_id = jnp.sort(jax.random.randint(ks[3], (NUM_BLOCKS,), 0, NUM_GRAPHS, dtype=jnp.int32))
    noise = jax.random.normal(ks[4], (NUM_BLOCKS, 3), jnp.float32)
    noise_level = jax.random.randint(ks[5], (NUM_GRAPHS,), 0, N_LEVELS, dtype=jnp.int32)
    sigmas = jnp.asarray(np.exp(np.linspace(np.log(0.01), np.log(10.0), N_LEVELS)), jnp.float32)
    W_enc = jax.random.normal(ks[6], (HIDDEN, HIDDEN), jnp.float32) * 0.05
    W_pos = jax.random.normal(ks[7], (3, HIDDEN), jnp.float32) * 0.05
    W_out = jax.random.normal(ks[8], (HIDDEN, 3), jnp.float32) * 0.05
    W1 = jax.random.normal(ks[9], (HIDDEN, HIDDEN), jnp.float32) * 0.05
    b1 = jnp.zeros((HIDDEN,), jnp.float32)
    W2 = jax.random.normal(ks[10], (HIDDEN, 1), jnp.float32) * 0.05
    b2 = jnp.zeros((1,), jnp.float32)
    return {"Z": Z, "H": H, "noise": noise, "sigmas": sigmas, "W_enc": W_enc, "W_pos": W_pos, "W_out": W_out, "W1": W1, "b1": b1, "W2": W2, "b2": b2, "block_id": block_id, "batch_id": batch_id, "noise_level": noise_level}


def reference(Z, H, noise, sigmas, W_enc, W_pos, W_out, W1, b1, W2, b2, block_id, batch_id, noise_level):
    # noise_type='block': per-block translational noise + denoising score matching loss
    sig = sigmas[noise_level][batch_id]  # [NUM_BLOCKS]
    block_center = _seg_mean(Z, block_id, NUM_BLOCKS)
    Zp = Z + (noise * sig[:, None])[block_id]
    Zp = jax.lax.stop_gradient(Zp)  # add_noise is @torch.no_grad()
    score_trans = jax.lax.stop_gradient((block_center - _seg_mean(Zp, block_id, NUM_BLOCKS)) / sig[:, None])
    # encoder stand-in producing unit representations from features + perturbed coords
    unit_repr = _silu(H @ W_enc + Zp @ W_pos)
    pred = unit_repr @ W_out  # per-atom denoising prediction [N,3]
    pred_trans = _seg_mean(pred, block_id, NUM_BLOCKS)
    loss = 1.0 * jnp.mean((pred_trans - score_trans) ** 2)  # denoise_loss_scale=1.0
    # block and graph level aggregation (agg_type='mean') + energy head
    block_repr = _seg_mean(unit_repr, block_id, NUM_BLOCKS)
    graph_repr = _seg_mean(block_repr, batch_id, NUM_GRAPHS)
    energy = (_silu(graph_repr @ W1 + b1) @ W2 + b2)[:, 0]
    return (energy, graph_repr, loss)

if __name__ == "__main__":
    import jax
    _d = setup_inputs()
    print(jax.jit(kernel)(*tuple(_d.values())))

</pallas_src>

<mosaic_0001>
#map = affine_map<(d0, d1) -> (0)>
#map1 = affine_map<(d0, d1) -> (0, 0)>
#map2 = affine_map<(d0, d1) -> (0, 0, 0)>
module attributes {stable_mosaic.version = 14 : i64} {
  func.func @body(%arg0: i32, %arg1: i32, %arg2: memref<320000xi32, #tpu.memory_space<hbm>>, %arg3: memref<32000xi32, #tpu.memory_space<hbm>>, %arg4: memref<2x32000xf32, #tpu.memory_space<hbm>>, %arg5: memref<1000xf32, #tpu.memory_space<hbm>>, %arg6: memref<2x2x32000xf32, #tpu.memory_space<hbm>>, %arg7: memref<1000xi32, #tpu.memory_space<vmem>>, %arg8: memref<1000xf32, #tpu.memory_space<vmem>>, %arg9: memref<2x32000xf32, #tpu.memory_space<vmem_shared>>, %arg10: memref<!tpu.dma_semaphore, #tpu.memory_space<semaphore_mem>>) attributes {dimension_semantics = [#tpu.dimension_semantics<core_parallel>, #tpu.dimension_semantics<subcore_parallel>], iteration_bounds = array<i64: 2, 16>, scalar_prefetch = 0 : i64, scratch_operands = 4 : i64, tpu.core_type = #tpu.core_type<sc_vector_subcore>, window_params = [{transform_indices = #map}, {transform_indices = #map}, {transform_indices = #map1}, {transform_indices = #map}, {transform_indices = #map2}]} {
    %eq3A = arith.constant 0 : i32
    %eq3A_0 = arith.cmpi eq, %arg1, %eq3A : i32
    %convert_element_type3A = arith.extui %eq3A_0 : i1 to i32
    %cond3A = arith.constant 0 : i32
    %cond3A_1 = arith.cmpi ne, %convert_element_type3A, %cond3A : i32
    scf.if %cond3A_1 {
      "tpu.region"() ({
        %run_scoped3A_25 = tpu.sem_alloc : memref<!tpu.dma_semaphore, #tpu.memory_space<semaphore_mem>>
        tpu.enqueue_dma source(%arg4 : memref<2x32000xf32, #tpu.memory_space<hbm>>) target(%arg9 : memref<2x32000xf32, #tpu.memory_space<vmem_shared>>) target_semaphore(%run_scoped3A_25 : memref<!tpu.dma_semaphore, #tpu.memory_space<semaphore_mem>>)
        tpu.wait_dma2 semaphore(%run_scoped3A_25 : memref<!tpu.dma_semaphore, #tpu.memory_space<semaphore_mem>>) src(%arg4 : memref<2x32000xf32, #tpu.memory_space<hbm>>) dst(%arg9 : memref<2x32000xf32, #tpu.memory_space<vmem_shared>>)
        tpu.yield
      }) : () -> ()
    } else {
    }
    %mul3A = arith.constant 16 : i32
    %mul3A_2 = arith.muli %arg0, %mul3A : i32
    %add3A = arith.addi %mul3A_2, %arg1 : i32
    %mul3A_3 = arith.constant 10000 : i32
    %mul3A_4 = arith.muli %add3A, %mul3A_3 : i32
    "tpu.region"() ({
      %run_scoped3A_25 = tpu.sem_alloc : memref<!tpu.dma_semaphore, #tpu.memory_space<semaphore_mem>>
      %dma_start3A = arith.constant 0 : i32
      %dma_start3A_26 = tpu.memref_slice %arg5[%dma_start3A] : memref<1000xf32, #tpu.memory_space<hbm>> -> memref<1000xf32, #tpu.memory_space<hbm>>
      %dma_start3A_27 = arith.constant 0 : i32
      %dma_start3A_28 = tpu.memref_slice %arg5[%dma_start3A_27] : memref<1000xf32, #tpu.memory_space<hbm>> -> memref<1000xf32, #tpu.memory_space<hbm>>
      tpu.enqueue_dma source(%dma_start3A_28 : memref<1000xf32, #tpu.memory_space<hbm>>) target(%arg8 : memref<1000xf32, #tpu.memory_space<vmem>>) target_semaphore(%run_scoped3A_25 : memref<!tpu.dma_semaphore, #tpu.memory_space<semaphore_mem>>)
      %dma_wait3A = arith.constant 0 : i32
      %dma_wait3A_29 = tpu.memref_slice %arg5[%dma_wait3A] : memref<1000xf32, #tpu.memory_space<hbm>> -> memref<1000xf32, #tpu.memory_space<hbm>>
      %dma_wait3A_30 = arith.constant 0 : i32
      %dma_wait3A_31 = tpu.memref_slice %arg5[%dma_wait3A_30] : memref<1000xf32, #tpu.memory_space<hbm>> -> memref<1000xf32, #tpu.memory_space<hbm>>
      tpu.wait_dma2 semaphore(%run_scoped3A_25 : memref<!tpu.dma_semaphore, #tpu.memory_space<semaphore_mem>>) src(%dma_wait3A_31 : memref<1000xf32, #tpu.memory_space<hbm>>) dst(%arg8 : memref<1000xf32, #tpu.memory_space<vmem>>)
      tpu.yield
    }) : () -> ()
    %barrier3A = arith.constant 0 : index
    tpu.barrier barrier_id(%barrier3A)
    %scan3A = arith.constant 0 : i32
    %scan3A_5 = arith.constant 0 : i32
    %scan3A_6 = arith.constant 10 : i32
    %scan3A_7 = arith.addi %scan3A_5, %scan3A_6 : i32
    %scan3A_8 = arith.constant 1 : i32
    scf.for %scan3A_25 = %scan3A_5 to %scan3A_7 step %scan3A_8  : i32 {
      %mul3A_26 = arith.constant 1000 : i32
      %mul3A_27 = arith.muli %scan3A_25, %mul3A_26 : i32
      %add3A_28 = arith.addi %mul3A_4, %mul3A_27 : i32
      "tpu.region"() ({
        %run_scoped3A_30 = tpu.sem_alloc : memref<!tpu.dma_semaphore, #tpu.memory_space<semaphore_mem>>
        %dma_start3A = tpu.memref_slice %arg2[%add3A_28] : memref<320000xi32, #tpu.memory_space<hbm>> -> memref<1000xi32, #tpu.memory_space<hbm>>
        %dma_start3A_31 = tpu.memref_slice %arg2[%add3A_28] : memref<320000xi32, #tpu.memory_space<hbm>> -> memref<1000xi32, #tpu.memory_space<hbm>>
        tpu.enqueue_dma source(%dma_start3A_31 : memref<1000xi32, #tpu.memory_space<hbm>>) target(%arg7 : memref<1000xi32, #tpu.memory_space<vmem>>) target_semaphore(%run_scoped3A_30 : memref<!tpu.dma_semaphore, #tpu.memory_space<semaphore_mem>>)
        %dma_wait3A = tpu.memref_slice %arg2[%add3A_28] : memref<320000xi32, #tpu.memory_space<hbm>> -> memref<1000xi32, #tpu.memory_space<hbm>>
        %dma_wait3A_32 = tpu.memref_slice %arg2[%add3A_28] : memref<320000xi32, #tpu.memory_space<hbm>> -> memref<1000xi32, #tpu.memory_space<hbm>>
        tpu.wait_dma2 semaphore(%run_scoped3A_30 : memref<!tpu.dma_semaphore, #tpu.memory_space<semaphore_mem>>) src(%dma_wait3A_32 : memref<1000xi32, #tpu.memory_space<hbm>>) dst(%arg7 : memref<1000xi32, #tpu.memory_space<vmem>>)
        tpu.yield
      }) : () -> ()
      %run_scoped3A_29 = arith.constant 0 : i32
      "tpu.region"() ({
        %run_scoped3A_30 = tpu.sem_alloc : memref<!tpu.dma_semaphore, #tpu.memory_space<semaphore_mem>>
        %dma_start3A = arith.constant 0 : i32
        %dma_start3A_31 = tpu.memref_slice %arg9[%run_scoped3A_29, %dma_start3A] : memref<2x32000xf32, #tpu.memory_space<vmem_shared>> -> memref<1x32000xf32, #tpu.memory_space<vmem_shared>>
        %dma_start3A_32 = tpu.memref_squeeze %dma_start3A_31 : memref<1x32000xf32, #tpu.memory_space<vmem_shared>> -> memref<32000xf32, #tpu.memory_space<vmem_shared>>
        %dma_start3A_33 = arith.constant 0 : i32
        %dma_start3A_34 = tpu.memref_slice %dma_start3A_32[%dma_start3A_33] : memref<32000xf32, #tpu.memory_space<vmem_shared>> -> memref<32000xf32, #tpu.memory_space<vmem_shared>>
        tpu.enqueue_indirect_dma source(%arg8 : memref<1000xf32, #tpu.memory_space<vmem>>) target(%dma_start3A_34 : memref<32000xf32, #tpu.memory_space<vmem_shared>>) offsets(%arg7 : memref<1000xi32, #tpu.memory_space<vmem>>) semaphore(%run_scoped3A_30 : memref<!tpu.dma_semaphore, #tpu.memory_space<semaphore_mem>>) {add = true}
        %dma_wait3A = arith.constant 0 : i32
        %dma_wait3A_35 = tpu.memref_slice %arg9[%run_scoped3A_29, %dma_wait3A] : memref<2x32000xf32, #tpu.memory_space<vmem_shared>> -> memref<1x32000xf32, #tpu.memory_space<vmem_shared>>
        %dma_wait3A_36 = tpu.memref_squeeze %dma_wait3A_35 : memref<1x32000xf32, #tpu.memory_space<vmem_shared>> -> memref<32000xf32, #tpu.memory_space<vmem_shared>>
        %dma_wait3A_37 = arith.constant 0 : i32
        %dma_wait3A_38 = tpu.memref_slice %dma_wait3A_36[%dma_wait3A_37] : memref<32000xf32, #tpu.memory_space<vmem_shared>> -> memref<32000xf32, #tpu.memory_space<vmem_shared>>
        tpu.wait_indirect_dma semaphore(%run_scoped3A_30 : memref<!tpu.dma_semaphore, #tpu.memory_space<semaphore_mem>>) src(%arg8 : memref<1000xf32, #tpu.memory_space<vmem>>) dst(%dma_wait3A_38 : memref<32000xf32, #tpu.memory_space<vmem_shared>>)
        tpu.yield
      }) : () -> ()
    }
    %scan3A_9 = arith.constant 10 : i32
    %mul3A_10 = arith.constant 1000 : i32
    %mul3A_11 = arith.muli %add3A, %mul3A_10 : i32
    "tpu.region"() ({
      %run_scoped3A_25 = tpu.sem_alloc : memref<!tpu.dma_semaphore, #tpu.memory_space<semaphore_mem>>
      %dma_start3A = tpu.memref_slice %arg3[%mul3A_11] : memref<32000xi32, #tpu.memory_space<hbm>> -> memref<1000xi32, #tpu.memory_space<hbm>>
      %dma_start3A_26 = tpu.memref_slice %arg3[%mul3A_11] : memref<32000xi32, #tpu.memory_space<hbm>> -> memref<1000xi32, #tpu.memory_space<hbm>>
      tpu.enqueue_dma source(%dma_start3A_26 : memref<1000xi32, #tpu.memory_space<hbm>>) target(%arg7 : memref<1000xi32, #tpu.memory_space<vmem>>) target_semaphore(%run_scoped3A_25 : memref<!tpu.dma_semaphore, #tpu.memory_space<semaphore_mem>>)
      %dma_wait3A = tpu.memref_slice %arg3[%mul3A_11] : memref<32000xi32, #tpu.memory_space<hbm>> -> memref<1000xi32, #tpu.memory_space<hbm>>
      %dma_wait3A_27 = tpu.memref_slice %arg3[%mul3A_11] : memref<32000xi32, #tpu.memory_space<hbm>> -> memref<1000xi32, #tpu.memory_space<hbm>>
      tpu.wait_dma2 semaphore(%run_scoped3A_25 : memref<!tpu.dma_semaphore, #tpu.memory_space<semaphore_mem>>) src(%dma_wait3A_27 : memref<1000xi32, #tpu.memory_space<hbm>>) dst(%arg7 : memref<1000xi32, #tpu.memory_space<vmem>>)
      tpu.yield
    }) : () -> ()
    %run_scoped3A = arith.constant 1 : i32
    "tpu.region"() ({
      %run_scoped3A_25 = tpu.sem_alloc : memref<!tpu.dma_semaphore, #tpu.memory_space<semaphore_mem>>
      %dma_start3A = arith.constant 0 : i32
      %dma_start3A_26 = tpu.memref_slice %arg9[%run_scoped3A, %dma_start3A] : memref<2x32000xf32, #tpu.memory_space<vmem_shared>> -> memref<1x32000xf32, #tpu.memory_space<vmem_shared>>
      %dma_start3A_27 = tpu.memref_squeeze %dma_start3A_26 : memref<1x32000xf32, #tpu.memory_space<vmem_shared>> -> memref<32000xf32, #tpu.memory_space<vmem_shared>>
      %dma_start3A_28 = arith.constant 0 : i32
      %dma_start3A_29 = tpu.memref_slice %dma_start3A_27[%dma_start3A_28] : memref<32000xf32, #tpu.memory_space<vmem_shared>> -> memref<32000xf32, #tpu.memory_space<vmem_shared>>
      tpu.enqueue_indirect_dma source(%arg8 : memref<1000xf32, #tpu.memory_space<vmem>>) target(%dma_start3A_29 : memref<32000xf32, #tpu.memory_space<vmem_shared>>) offsets(%arg7 : memref<1000xi32, #tpu.memory_space<vmem>>) semaphore(%run_scoped3A_25 : memref<!tpu.dma_semaphore, #tpu.memory_space<semaphore_mem>>) {add = true}
      %dma_wait3A = arith.constant 0 : i32
      %dma_wait3A_30 = tpu.memref_slice %arg9[%run_scoped3A, %dma_wait3A] : memref<2x32000xf32, #tpu.memory_space<vmem_shared>> -> memref<1x32000xf32, #tpu.memory_space<vmem_shared>>
      %dma_wait3A_31 = tpu.memref_squeeze %dma_wait3A_30 : memref<1x32000xf32, #tpu.memory_space<vmem_shared>> -> memref<32000xf32, #tpu.memory_space<vmem_shared>>
      %dma_wait3A_32 = arith.constant 0 : i32
      %dma_wait3A_33 = tpu.memref_slice %dma_wait3A_31[%dma_wait3A_32] : memref<32000xf32, #tpu.memory_space<vmem_shared>> -> memref<32000xf32, #tpu.memory_space<vmem_shared>>
      tpu.wait_indirect_dma semaphore(%run_scoped3A_25 : memref<!tpu.dma_semaphore, #tpu.memory_space<semaphore_mem>>) src(%arg8 : memref<1000xf32, #tpu.memory_space<vmem>>) dst(%dma_wait3A_33 : memref<32000xf32, #tpu.memory_space<vmem_shared>>)
      tpu.yield
    }) : () -> ()
    %barrier3A_12 = arith.constant 0 : index
    tpu.barrier barrier_id(%barrier3A_12)
    %mul3A_13 = arith.constant 2000 : i32
    %mul3A_14 = arith.muli %arg1, %mul3A_13 : i32
    %mul3A_15 = arith.constant 2000 : i32
    %mul3A_16 = arith.muli %arg1, %mul3A_15 : i32
    %run_scoped3A_17 = arith.constant 0 : i32
    %run_scoped3A_18 = arith.constant 0 : i32
    "tpu.region"() ({
      %run_scoped3A_25 = tpu.sem_alloc : memref<!tpu.dma_semaphore, #tpu.memory_space<semaphore_mem>>
      %dma_start3A = tpu.memref_slice %arg6[%arg0, %run_scoped3A_18, %mul3A_16] : memref<2x2x32000xf32, #tpu.memory_space<hbm>> -> memref<1x1x2000xf32, #tpu.memory_space<hbm>>
      %dma_start3A_26 = tpu.memref_squeeze %dma_start3A : memref<1x1x2000xf32, #tpu.memory_space<hbm>> -> memref<2000xf32, #tpu.memory_space<hbm>>
      %dma_start3A_27 = tpu.memref_slice %arg9[%run_scoped3A_17, %mul3A_14] : memref<2x32000xf32, #tpu.memory_space<vmem_shared>> -> memref<1x2000xf32, #tpu.memory_space<vmem_shared>>
      %dma_start3A_28 = tpu.memref_squeeze %dma_start3A_27 : memref<1x2000xf32, #tpu.memory_space<vmem_shared>> -> memref<2000xf32, #tpu.memory_space<vmem_shared>>
      tpu.enqueue_dma source(%dma_start3A_28 : memref<2000xf32, #tpu.memory_space<vmem_shared>>) target(%dma_start3A_26 : memref<2000xf32, #tpu.memory_space<hbm>>) target_semaphore(%run_scoped3A_25 : memref<!tpu.dma_semaphore, #tpu.memory_space<semaphore_mem>>)
      %dma_wait3A = tpu.memref_slice %arg6[%arg0, %run_scoped3A_18, %mul3A_16] : memref<2x2x32000xf32, #tpu.memory_space<hbm>> -> memref<1x1x2000xf32, #tpu.memory_space<hbm>>
      %dma_wait3A_29 = tpu.memref_squeeze %dma_wait3A : memref<1x1x2000xf32, #tpu.memory_space<hbm>> -> memref<2000xf32, #tpu.memory_space<hbm>>
      %dma_wait3A_30 = tpu.memref_slice %arg9[%run_scoped3A_17, %mul3A_14] : memref<2x32000xf32, #tpu.memory_space<vmem_shared>> -> memref<1x2000xf32, #tpu.memory_space<vmem_shared>>
      %dma_wait3A_31 = tpu.memref_squeeze %dma_wait3A_30 : memref<1x2000xf32, #tpu.memory_space<vmem_shared>> -> memref<2000xf32, #tpu.memory_space<vmem_shared>>
      tpu.wait_dma2 semaphore(%run_scoped3A_25 : memref<!tpu.dma_semaphore, #tpu.memory_space<semaphore_mem>>) src(%dma_wait3A_31 : memref<2000xf32, #tpu.memory_space<vmem_shared>>) dst(%dma_wait3A_29 : memref<2000xf32, #tpu.memory_space<hbm>>)
      tpu.yield
    }) : () -> ()
    %mul3A_19 = arith.constant 2000 : i32
    %mul3A_20 = arith.muli %arg1, %mul3A_19 : i32
    %mul3A_21 = arith.constant 2000 : i32
    %mul3A_22 = arith.muli %arg1, %mul3A_21 : i32
    %run_scoped3A_23 = arith.constant 1 : i32
    %run_scoped3A_24 = arith.constant 1 : i32
    "tpu.region"() ({
      %run_scoped3A_25 = tpu.sem_alloc : memref<!tpu.dma_semaphore, #tpu.memory_space<semaphore_mem>>
      %dma_start3A = tpu.memref_slice %arg6[%arg0, %run_scoped3A_24, %mul3A_22] : memref<2x2x32000xf32, #tpu.memory_space<hbm>> -> memref<1x1x2000xf32, #tpu.memory_space<hbm>>
      %dma_start3A_26 = tpu.memref_squeeze %dma_start3A : memref<1x1x2000xf32, #tpu.memory_space<hbm>> -> memref<2000xf32, #tpu.memory_space<hbm>>
      %dma_start3A_27 = tpu.memref_slice %arg9[%run_scoped3A_23, %mul3A_20] : memref<2x32000xf32, #tpu.memory_space<vmem_shared>> -> memref<1x2000xf32, #tpu.memory_space<vmem_shared>>
      %dma_start3A_28 = tpu.memref_squeeze %dma_start3A_27 : memref<1x2000xf32, #tpu.memory_space<vmem_shared>> -> memref<2000xf32, #tpu.memory_space<vmem_shared>>
      tpu.enqueue_dma source(%dma_start3A_28 : memref<2000xf32, #tpu.memory_space<vmem_shared>>) target(%dma_start3A_26 : memref<2000xf32, #tpu.memory_space<hbm>>) target_semaphore(%run_scoped3A_25 : memref<!tpu.dma_semaphore, #tpu.memory_space<semaphore_mem>>)
      %dma_wait3A = tpu.memref_slice %arg6[%arg0, %run_scoped3A_24, %mul3A_22] : memref<2x2x32000xf32, #tpu.memory_space<hbm>> -> memref<1x1x2000xf32, #tpu.memory_space<hbm>>
      %dma_wait3A_29 = tpu.memref_squeeze %dma_wait3A : memref<1x1x2000xf32, #tpu.memory_space<hbm>> -> memref<2000xf32, #tpu.memory_space<hbm>>
      %dma_wait3A_30 = tpu.memref_slice %arg9[%run_scoped3A_23, %mul3A_20] : memref<2x32000xf32, #tpu.memory_space<vmem_shared>> -> memref<1x2000xf32, #tpu.memory_space<vmem_shared>>
      %dma_wait3A_31 = tpu.memref_squeeze %dma_wait3A_30 : memref<1x2000xf32, #tpu.memory_space<vmem_shared>> -> memref<2000xf32, #tpu.memory_space<vmem_shared>>
      tpu.wait_dma2 semaphore(%run_scoped3A_25 : memref<!tpu.dma_semaphore, #tpu.memory_space<semaphore_mem>>) src(%dma_wait3A_31 : memref<2000xf32, #tpu.memory_space<vmem_shared>>) dst(%dma_wait3A_29 : memref<2000xf32, #tpu.memory_space<hbm>>)
      tpu.yield
    }) : () -> ()
    return
  }
}

#map = affine_map<(d0, d1) -> (0, 0)>
#map1 = affine_map<(d0, d1) -> (0)>
module attributes {stable_mosaic.version = 14 : i64} {
  func.func @_sc_gather_body(%arg0: i32, %arg1: i32, %arg2: memref<4x32000xf32, #tpu.memory_space<hbm>>, %arg3: memref<320000xi32, #tpu.memory_space<hbm>>, %arg4: memref<4x320000xf32, #tpu.memory_space<hbm>>, %arg5: memref<1000xi32, #tpu.memory_space<vmem>>, %arg6: memref<1000xf32, #tpu.memory_space<vmem>>, %arg7: memref<!tpu.dma_semaphore, #tpu.memory_space<semaphore_mem>>) attributes {dimension_semantics = [#tpu.dimension_semantics<core_parallel>, #tpu.dimension_semantics<subcore_parallel>], iteration_bounds = array<i64: 2, 16>, scalar_prefetch = 0 : i64, scratch_operands = 3 : i64, tpu.core_type = #tpu.core_type<sc_vector_subcore>, window_params = [{transform_indices = #map}, {transform_indices = #map1}, {transform_indices = #map}]} {
    %mul3A = arith.constant 2 : i32
    %mul3A_0 = arith.muli %arg1, %mul3A : i32
    %add3A = arith.addi %mul3A_0, %arg0 : i32
    %mul3A_1 = arith.constant 10000 : i32
    %mul3A_2 = arith.muli %add3A, %mul3A_1 : i32
    %scan3A = arith.constant 0 : i32
    %scan3A_3 = arith.constant 0 : i32
    %scan3A_4 = arith.constant 10 : i32
    %scan3A_5 = arith.addi %scan3A_3, %scan3A_4 : i32
    %scan3A_6 = arith.constant 1 : i32
    scf.for %scan3A_8 = %scan3A_3 to %scan3A_5 step %scan3A_6  : i32 {
      %mul3A_9 = arith.constant 1000 : i32
      %mul3A_10 = arith.muli %scan3A_8, %mul3A_9 : i32
      %add3A_11 = arith.addi %mul3A_2, %mul3A_10 : i32
      "tpu.region"() ({
        %run_scoped3A_61 = tpu.sem_alloc : memref<!tpu.dma_semaphore, #tpu.memory_space<semaphore_mem>>
        %dma_start3A_62 = tpu.memref_slice %arg3[%add3A_11] : memref<320000xi32, #tpu.memory_space<hbm>> -> memref<1000xi32, #tpu.memory_space<hbm>>
        %dma_start3A_63 = tpu.memref_slice %arg3[%add3A_11] : memref<320000xi32, #tpu.memory_space<hbm>> -> memref<1000xi32, #tpu.memory_space<hbm>>
        tpu.enqueue_dma source(%dma_start3A_63 : memref<1000xi32, #tpu.memory_space<hbm>>) target(%arg5 : memref<1000xi32, #tpu.memory_space<vmem>>) target_semaphore(%run_scoped3A_61 : memref<!tpu.dma_semaphore, #tpu.memory_space<semaphore_mem>>)
        %dma_wait3A_64 = tpu.memref_slice %arg3[%add3A_11] : memref<320000xi32, #tpu.memory_space<hbm>> -> memref<1000xi32, #tpu.memory_space<hbm>>
        %dma_wait3A_65 = tpu.memref_slice %arg3[%add3A_11] : memref<320000xi32, #tpu.memory_space<hbm>> -> memref<1000xi32, #tpu.memory_space<hbm>>
        tpu.wait_dma2 semaphore(%run_scoped3A_61 : memref<!tpu.dma_semaphore, #tpu.memory_space<semaphore_mem>>) src(%dma_wait3A_65 : memref<1000xi32, #tpu.memory_space<hbm>>) dst(%arg5 : memref<1000xi32, #tpu.memory_space<vmem>>)
        tpu.yield
      }) : () -> ()
      %dma_start3A = arith.constant 0 : i32
      %dma_start3A_12 = arith.constant 0 : i32
      %dma_start3A_13 = tpu.memref_slice %arg2[%dma_start3A, %dma_start3A_12] : memref<4x32000xf32, #tpu.memory_space<hbm>> -> memref<1x32000xf32, #tpu.memory_space<hbm>>
      %dma_start3A_14 = tpu.memref_squeeze %dma_start3A_13 : memref<1x32000xf32, #tpu.memory_space<hbm>> -> memref<32000xf32, #tpu.memory_space<hbm>>
      %dma_start3A_15 = arith.constant 0 : i32
      %dma_start3A_16 = tpu.memref_slice %dma_start3A_14[%dma_start3A_15] : memref<32000xf32, #tpu.memory_space<hbm>> -> memref<32000xf32, #tpu.memory_space<hbm>>
      tpu.enqueue_indirect_dma source(%dma_start3A_16 : memref<32000xf32, #tpu.memory_space<hbm>>) target(%arg6 : memref<1000xf32, #tpu.memory_space<vmem>>) offsets(%arg5 : memref<1000xi32, #tpu.memory_space<vmem>>) semaphore(%arg7 : memref<!tpu.dma_semaphore, #tpu.memory_space<semaphore_mem>>)
      %dma_wait3A = arith.constant 0 : i32
      %dma_wait3A_17 = arith.constant 0 : i32
      %dma_wait3A_18 = tpu.memref_slice %arg2[%dma_wait3A, %dma_wait3A_17] : memref<4x32000xf32, #tpu.memory_space<hbm>> -> memref<1x32000xf32, #tpu.memory_space<hbm>>
      %dma_wait3A_19 = tpu.memref_squeeze %dma_wait3A_18 : memref<1x32000xf32, #tpu.memory_space<hbm>> -> memref<32000xf32, #tpu.memory_space<hbm>>
      %dma_wait3A_20 = arith.constant 0 : i32
      %dma_wait3A_21 = tpu.memref_slice %dma_wait3A_19[%dma_wait3A_20] : memref<32000xf32, #tpu.memory_space<hbm>> -> memref<32000xf32, #tpu.memory_space<hbm>>
      tpu.wait_indirect_dma semaphore(%arg7 : memref<!tpu.dma_semaphore, #tpu.memory_space<semaphore_mem>>) src(%dma_wait3A_21 : memref<32000xf32, #tpu.memory_space<hbm>>) dst(%arg6 : memref<1000xf32, #tpu.memory_space<vmem>>)
      %run_scoped3A = arith.constant 0 : i32
      "tpu.region"() ({
        %run_scoped3A_61 = tpu.sem_alloc : memref<!tpu.dma_semaphore, #tpu.memory_space<semaphore_mem>>
        %dma_start3A_62 = tpu.memref_slice %arg4[%run_scoped3A, %add3A_11] : memref<4x320000xf32, #tpu.memory_space<hbm>> -> memref<1x1000xf32, #tpu.memory_space<hbm>>
        %dma_start3A_63 = tpu.memref_squeeze %dma_start3A_62 : memref<1x1000xf32, #tpu.memory_space<hbm>> -> memref<1000xf32, #tpu.memory_space<hbm>>
        %dma_start3A_64 = tpu.memref_slice %arg4[%run_scoped3A, %add3A_11] : memref<4x320000xf32, #tpu.memory_space<hbm>> -> memref<1x1000xf32, #tpu.memory_space<hbm>>
        %dma_start3A_65 = tpu.memref_squeeze %dma_start3A_64 : memref<1x1000xf32, #tpu.memory_space<hbm>> -> memref<1000xf32, #tpu.memory_space<hbm>>
        tpu.enqueue_dma source(%arg6 : memref<1000xf32, #tpu.memory_space<vmem>>) target(%dma_start3A_65 : memref<1000xf32, #tpu.memory_space<hbm>>) target_semaphore(%run_scoped3A_61 : memref<!tpu.dma_semaphore, #tpu.memory_space<semaphore_mem>>)
        %dma_wait3A_66 = tpu.memref_slice %arg4[%run_scoped3A, %add3A_11] : memref<4x320000xf32, #tpu.memory_space<hbm>> -> memref<1x1000xf32, #tpu.memory_space<hbm>>
        %dma_wait3A_67 = tpu.memref_squeeze %dma_wait3A_66 : memref<1x1000xf32, #tpu.memory_space<hbm>> -> memref<1000xf32, #tpu.memory_space<hbm>>
        %dma_wait3A_68 = tpu.memref_slice %arg4[%run_scoped3A, %add3A_11] : memref<4x320000xf32, #tpu.memory_space<hbm>> -> memref<1x1000xf32, #tpu.memory_space<hbm>>
        %dma_wait3A_69 = tpu.memref_squeeze %dma_wait3A_68 : memref<1x1000xf32, #tpu.memory_space<hbm>> -> memref<1000xf32, #tpu.memory_space<hbm>>
        tpu.wait_dma2 semaphore(%run_scoped3A_61 : memref<!tpu.dma_semaphore, #tpu.memory_space<semaphore_mem>>) src(%arg6 : memref<1000xf32, #tpu.memory_space<vmem>>) dst(%dma_wait3A_69 : memref<1000xf32, #tpu.memory_space<hbm>>)
        tpu.yield
      }) : () -> ()
      %dma_start3A_22 = arith.constant 1 : i32
      %dma_start3A_23 = arith.constant 0 : i32
      %dma_start3A_24 = tpu.memref_slice %arg2[%dma_start3A_22, %dma_start3A_23] : memref<4x32000xf32, #tpu.memory_space<hbm>> -> memref<1x32000xf32, #tpu.memory_space<hbm>>
      %dma_start3A_25 = tpu.memref_squeeze %dma_start3A_24 : memref<1x32000xf32, #tpu.memory_space<hbm>> -> memref<32000xf32, #tpu.memory_space<hbm>>
      %dma_start3A_26 = arith.constant 0 : i32
      %dma_start3A_27 = tpu.memref_slice %dma_start3A_25[%dma_start3A_26] : memref<32000xf32, #tpu.memory_space<hbm>> -> memref<32000xf32, #tpu.memory_space<hbm>>
      tpu.enqueue_indirect_dma source(%dma_start3A_27 : memref<32000xf32, #tpu.memory_space<hbm>>) target(%arg6 : memref<1000xf32, #tpu.memory_space<vmem>>) offsets(%arg5 : memref<1000xi32, #tpu.memory_space<vmem>>) semaphore(%arg7 : memref<!tpu.dma_semaphore, #tpu.memory_space<semaphore_mem>>)
      %dma_wait3A_28 = arith.constant 1 : i32
      %dma_wait3A_29 = arith.constant 0 : i32
      %dma_wait3A_30 = tpu.memref_slice %arg2[%dma_wait3A_28, %dma_wait3A_29] : memref<4x32000xf32, #tpu.memory_space<hbm>> -> memref<1x32000xf32, #tpu.memory_space<hbm>>
      %dma_wait3A_31 = tpu.memref_squeeze %dma_wait3A_30 : memref<1x32000xf32, #tpu.memory_space<hbm>> -> memref<32000xf32, #tpu.memory_space<hbm>>
      %dma_wait3A_32 = arith.constant 0 : i32
      %dma_wait3A_33 = tpu.memref_slice %dma_wait3A_31[%dma_wait3A_32] : memref<32000xf32, #tpu.memory_space<hbm>> -> memref<32000xf32, #tpu.memory_space<hbm>>
      tpu.wait_indirect_dma semaphore(%arg7 : memref<!tpu.dma_semaphore, #tpu.memory_space<semaphore_mem>>) src(%dma_wait3A_33 : memref<32000xf32, #tpu.memory_space<hbm>>) dst(%arg6 : memref<1000xf32, #tpu.memory_space<vmem>>)
      %run_scoped3A_34 = arith.constant 1 : i32
      "tpu.region"() ({
        %run_scoped3A_61 = tpu.sem_alloc : memref<!tpu.dma_semaphore, #tpu.memory_space<semaphore_mem>>
        %dma_start3A_62 = tpu.memref_slice %arg4[%run_scoped3A_34, %add3A_11] : memref<4x320000xf32, #tpu.memory_space<hbm>> -> memref<1x1000xf32, #tpu.memory_space<hbm>>
        %dma_start3A_63 = tpu.memref_squeeze %dma_start3A_62 : memref<1x1000xf32, #tpu.memory_space<hbm>> -> memref<1000xf32, #tpu.memory_space<hbm>>
        %dma_start3A_64 = tpu.memref_slice %arg4[%run_scoped3A_34, %add3A_11] : memref<4x320000xf32, #tpu.memory_space<hbm>> -> memref<1x1000xf32, #tpu.memory_space<hbm>>
        %dma_start3A_65 = tpu.memref_squeeze %dma_start3A_64 : memref<1x1000xf32, #tpu.memory_space<hbm>> -> memref<1000xf32, #tpu.memory_space<hbm>>
        tpu.enqueue_dma source(%arg6 : memref<1000xf32, #tpu.memory_space<vmem>>) target(%dma_start3A_65 : memref<1000xf32, #tpu.memory_space<hbm>>) target_semaphore(%run_scoped3A_61 : memref<!tpu.dma_semaphore, #tpu.memory_space<semaphore_mem>>)
        %dma_wait3A_66 = tpu.memref_slice %arg4[%run_scoped3A_34, %add3A_11] : memref<4x320000xf32, #tpu.memory_space<hbm>> -> memref<1x1000xf32, #tpu.memory_space<hbm>>
        %dma_wait3A_67 = tpu.memref_squeeze %dma_wait3A_66 : memref<1x1000xf32, #tpu.memory_space<hbm>> -> memref<1000xf32, #tpu.memory_space<hbm>>
        %dma_wait3A_68 = tpu.memref_slice %arg4[%run_scoped3A_34, %add3A_11] : memref<4x320000xf32, #tpu.memory_space<hbm>> -> memref<1x1000xf32, #tpu.memory_space<hbm>>
        %dma_wait3A_69 = tpu.memref_squeeze %dma_wait3A_68 : memref<1x1000xf32, #tpu.memory_space<hbm>> -> memref<1000xf32, #tpu.memory_space<hbm>>
        tpu.wait_dma2 semaphore(%run_scoped3A_61 : memref<!tpu.dma_semaphore, #tpu.memory_space<semaphore_mem>>) src(%arg6 : memref<1000xf32, #tpu.memory_space<vmem>>) dst(%dma_wait3A_69 : memref<1000xf32, #tpu.memory_space<hbm>>)
        tpu.yield
      }) : () -> ()
      %dma_start3A_35 = arith.constant 2 : i32
      %dma_start3A_36 = arith.constant 0 : i32
      %dma_start3A_37 = tpu.memref_slice %arg2[%dma_start3A_35, %dma_start3A_36] : memref<4x32000xf32, #tpu.memory_space<hbm>> -> memref<1x32000xf32, #tpu.memory_space<hbm>>
      %dma_start3A_38 = tpu.memref_squeeze %dma_start3A_37 : memref<1x32000xf32, #tpu.memory_space<hbm>> -> memref<32000xf32, #tpu.memory_space<hbm>>
      %dma_start3A_39 = arith.constant 0 : i32
      %dma_start3A_40 = tpu.memref_slice %dma_start3A_38[%dma_start3A_39] : memref<32000xf32, #tpu.memory_space<hbm>> -> memref<32000xf32, #tpu.memory_space<hbm>>
      tpu.enqueue_indirect_dma source(%dma_start3A_40 : memref<32000xf32, #tpu.memory_space<hbm>>) target(%arg6 : memref<1000xf32, #tpu.memory_space<vmem>>) offsets(%arg5 : memref<1000xi32, #tpu.memory_space<vmem>>) semaphore(%arg7 : memref<!tpu.dma_semaphore, #tpu.memory_space<semaphore_mem>>)
      %dma_wait3A_41 = arith.constant 2 : i32
      %dma_wait3A_42 = arith.constant 0 : i32
      %dma_wait3A_43 = tpu.memref_slice %arg2[%dma_wait3A_41, %dma_wait3A_42] : memref<4x32000xf32, #tpu.memory_space<hbm>> -> memref<1x32000xf32, #tpu.memory_space<hbm>>
      %dma_wait3A_44 = tpu.memref_squeeze %dma_wait3A_43 : memref<1x32000xf32, #tpu.memory_space<hbm>> -> memref<32000xf32, #tpu.memory_space<hbm>>
      %dma_wait3A_45 = arith.constant 0 : i32
      %dma_wait3A_46 = tpu.memref_slice %dma_wait3A_44[%dma_wait3A_45] : memref<32000xf32, #tpu.memory_space<hbm>> -> memref<32000xf32, #tpu.memory_space<hbm>>
      tpu.wait_indirect_dma semaphore(%arg7 : memref<!tpu.dma_semaphore, #tpu.memory_space<semaphore_mem>>) src(%dma_wait3A_46 : memref<32000xf32, #tpu.memory_space<hbm>>) dst(%arg6 : memref<1000xf32, #tpu.memory_space<vmem>>)
      %run_scoped3A_47 = arith.constant 2 : i32
      "tpu.region"() ({
        %run_scoped3A_61 = tpu.sem_alloc : memref<!tpu.dma_semaphore, #tpu.memory_space<semaphore_mem>>
        %dma_start3A_62 = tpu.memref_slice %arg4[%run_scoped3A_47, %add3A_11] : memref<4x320000xf32, #tpu.memory_space<hbm>> -> memref<1x1000xf32, #tpu.memory_space<hbm>>
        %dma_start3A_63 = tpu.memref_squeeze %dma_start3A_62 : memref<1x1000xf32, #tpu.memory_space<hbm>> -> memref<1000xf32, #tpu.memory_space<hbm>>
        %dma_start3A_64 = tpu.memref_slice %arg4[%run_scoped3A_47, %add3A_11] : memref<4x320000xf32, #tpu.memory_space<hbm>> -> memref<1x1000xf32, #tpu.memory_space<hbm>>
        %dma_start3A_65 = tpu.memref_squeeze %dma_start3A_64 : memref<1x1000xf32, #tpu.memory_space<hbm>> -> memref<1000xf32, #tpu.memory_space<hbm>>
        tpu.enqueue_dma source(%arg6 : memref<1000xf32, #tpu.memory_space<vmem>>) target(%dma_start3A_65 : memref<1000xf32, #tpu.memory_space<hbm>>) target_semaphore(%run_scoped3A_61 : memref<!tpu.dma_semaphore, #tpu.memory_space<semaphore_mem>>)
        %dma_wait3A_66 = tpu.memref_slice %arg4[%run_scoped3A_47, %add3A_11] : memref<4x320000xf32, #tpu.memory_space<hbm>> -> memref<1x1000xf32, #tpu.memory_space<hbm>>
        %dma_wait3A_67 = tpu.memref_squeeze %dma_wait3A_66 : memref<1x1000xf32, #tpu.memory_space<hbm>> -> memref<1000xf32, #tpu.memory_space<hbm>>
        %dma_wait3A_68 = tpu.memref_slice %arg4[%run_scoped3A_47, %add3A_11] : memref<4x320000xf32, #tpu.memory_space<hbm>> -> memref<1x1000xf32, #tpu.memory_space<hbm>>
        %dma_wait3A_69 = tpu.memref_squeeze %dma_wait3A_68 : memref<1x1000xf32, #tpu.memory_space<hbm>> -> memref<1000xf32, #tpu.memory_space<hbm>>
        tpu.wait_dma2 semaphore(%run_scoped3A_61 : memref<!tpu.dma_semaphore, #tpu.memory_space<semaphore_mem>>) src(%arg6 : memref<1000xf32, #tpu.memory_space<vmem>>) dst(%dma_wait3A_69 : memref<1000xf32, #tpu.memory_space<hbm>>)
        tpu.yield
      }) : () -> ()
      %dma_start3A_48 = arith.constant 3 : i32
      %dma_start3A_49 = arith.constant 0 : i32
      %dma_start3A_50 = tpu.memref_slice %arg2[%dma_start3A_48, %dma_start3A_49] : memref<4x32000xf32, #tpu.memory_space<hbm>> -> memref<1x32000xf32, #tpu.memory_space<hbm>>
      %dma_start3A_51 = tpu.memref_squeeze %dma_start3A_50 : memref<1x32000xf32, #tpu.memory_space<hbm>> -> memref<32000xf32, #tpu.memory_space<hbm>>
      %dma_start3A_52 = arith.constant 0 : i32
      %dma_start3A_53 = tpu.memref_slice %dma_start3A_51[%dma_start3A_52] : memref<32000xf32, #tpu.memory_space<hbm>> -> memref<32000xf32, #tpu.memory_space<hbm>>
      tpu.enqueue_indirect_dma source(%dma_start3A_53 : memref<32000xf32, #tpu.memory_space<hbm>>) target(%arg6 : memref<1000xf32, #tpu.memory_space<vmem>>) offsets(%arg5 : memref<1000xi32, #tpu.memory_space<vmem>>) semaphore(%arg7 : memref<!tpu.dma_semaphore, #tpu.memory_space<semaphore_mem>>)
      %dma_wait3A_54 = arith.constant 3 : i32
      %dma_wait3A_55 = arith.constant 0 : i32
      %dma_wait3A_56 = tpu.memref_slice %arg2[%dma_wait3A_54, %dma_wait3A_55] : memref<4x32000xf32, #tpu.memory_space<hbm>> -> memref<1x32000xf32, #tpu.memory_space<hbm>>
      %dma_wait3A_57 = tpu.memref_squeeze %dma_wait3A_56 : memref<1x32000xf32, #tpu.memory_space<hbm>> -> memref<32000xf32, #tpu.memory_space<hbm>>
      %dma_wait3A_58 = arith.constant 0 : i32
      %dma_wait3A_59 = tpu.memref_slice %dma_wait3A_57[%dma_wait3A_58] : memref<32000xf32, #tpu.memory_space<hbm>> -> memref<32000xf32, #tpu.memory_space<hbm>>
      tpu.wait_indirect_dma semaphore(%arg7 : memref<!tpu.dma_semaphore, #tpu.memory_space<semaphore_mem>>) src(%dma_wait3A_59 : memref<32000xf32, #tpu.memory_space<hbm>>) dst(%arg6 : memref<1000xf32, #tpu.memory_space<vmem>>)
      %run_scoped3A_60 = arith.constant 3 : i32
      "tpu.region"() ({
        %run_scoped3A_61 = tpu.sem_alloc : memref<!tpu.dma_semaphore, #tpu.memory_space<semaphore_mem>>
        %dma_start3A_62 = tpu.memref_slice %arg4[%run_scoped3A_60, %add3A_11] : memref<4x320000xf32, #tpu.memory_space<hbm>> -> memref<1x1000xf32, #tpu.memory_space<hbm>>
        %dma_start3A_63 = tpu.memref_squeeze %dma_start3A_62 : memref<1x1000xf32, #tpu.memory_space<hbm>> -> memref<1000xf32, #tpu.memory_space<hbm>>
        %dma_start3A_64 = tpu.memref_slice %arg4[%run_scoped3A_60, %add3A_11] : memref<4x320000xf32, #tpu.memory_space<hbm>> -> memref<1x1000xf32, #tpu.memory_space<hbm>>
        %dma_start3A_65 = tpu.memref_squeeze %dma_start3A_64 : memref<1x1000xf32, #tpu.memory_space<hbm>> -> memref<1000xf32, #tpu.memory_space<hbm>>
        tpu.enqueue_dma source(%arg6 : memref<1000xf32, #tpu.memory_space<vmem>>) target(%dma_start3A_65 : memref<1000xf32, #tpu.memory_space<hbm>>) target_semaphore(%run_scoped3A_61 : memref<!tpu.dma_semaphore, #tpu.memory_space<semaphore_mem>>)
        %dma_wait3A_66 = tpu.memref_slice %arg4[%run_scoped3A_60, %add3A_11] : memref<4x320000xf32, #tpu.memory_space<hbm>> -> memref<1x1000xf32, #tpu.memory_space<hbm>>
        %dma_wait3A_67 = tpu.memref_squeeze %dma_wait3A_66 : memref<1x1000xf32, #tpu.memory_space<hbm>> -> memref<1000xf32, #tpu.memory_space<hbm>>
        %dma_wait3A_68 = tpu.memref_slice %arg4[%run_scoped3A_60, %add3A_11] : memref<4x320000xf32, #tpu.memory_space<hbm>> -> memref<1x1000xf32, #tpu.memory_space<hbm>>
        %dma_wait3A_69 = tpu.memref_squeeze %dma_wait3A_68 : memref<1x1000xf32, #tpu.memory_space<hbm>> -> memref<1000xf32, #tpu.memory_space<hbm>>
        tpu.wait_dma2 semaphore(%run_scoped3A_61 : memref<!tpu.dma_semaphore, #tpu.memory_space<semaphore_mem>>) src(%arg6 : memref<1000xf32, #tpu.memory_space<vmem>>) dst(%dma_wait3A_69 : memref<1000xf32, #tpu.memory_space<hbm>>)
        tpu.yield
      }) : () -> ()
    }
    %scan3A_7 = arith.constant 10 : i32
    return
  }
}

#map = affine_map<(d0, d1) -> (0, 0)>
#map1 = affine_map<(d0, d1) -> (0)>
#map2 = affine_map<(d0, d1) -> (0, 0, 0)>
module attributes {stable_mosaic.version = 14 : i64} {
  func.func @body(%arg0: i32, %arg1: i32, %arg2: memref<3x320000xf32, #tpu.memory_space<hbm>>, %arg3: memref<320000xi32, #tpu.memory_space<hbm>>, %arg4: memref<4x32000xf32, #tpu.memory_space<hbm>>, %arg5: memref<1000xf32, #tpu.memory_space<hbm>>, %arg6: memref<2x4x32000xf32, #tpu.memory_space<hbm>>, %arg7: memref<1000xi32, #tpu.memory_space<vmem>>, %arg8: memref<1000xf32, #tpu.memory_space<vmem>>, %arg9: memref<1000xf32, #tpu.memory_space<vmem>>, %arg10: memref<4x32000xf32, #tpu.memory_space<vmem_shared>>, %arg11: memref<!tpu.dma_semaphore, #tpu.memory_space<semaphore_mem>>) attributes {dimension_semantics = [#tpu.dimension_semantics<core_parallel>, #tpu.dimension_semantics<subcore_parallel>], iteration_bounds = array<i64: 2, 16>, scalar_prefetch = 0 : i64, scratch_operands = 5 : i64, tpu.core_type = #tpu.core_type<sc_vector_subcore>, window_params = [{transform_indices = #map}, {transform_indices = #map1}, {transform_indices = #map}, {transform_indices = #map1}, {transform_indices = #map2}]} {
    %eq3A = arith.constant 0 : i32
    %eq3A_0 = arith.cmpi eq, %arg1, %eq3A : i32
    %convert_element_type3A = arith.extui %eq3A_0 : i1 to i32
    %cond3A = arith.constant 0 : i32
    %cond3A_1 = arith.cmpi ne, %convert_element_type3A, %cond3A : i32
    scf.if %cond3A_1 {
      "tpu.region"() ({
        %run_scoped3A_34 = tpu.sem_alloc : memref<!tpu.dma_semaphore, #tpu.memory_space<semaphore_mem>>
        tpu.enqueue_dma source(%arg4 : memref<4x32000xf32, #tpu.memory_space<hbm>>) target(%arg10 : memref<4x32000xf32, #tpu.memory_space<vmem_shared>>) target_semaphore(%run_scoped3A_34 : memref<!tpu.dma_semaphore, #tpu.memory_space<semaphore_mem>>)
        tpu.wait_dma2 semaphore(%run_scoped3A_34 : memref<!tpu.dma_semaphore, #tpu.memory_space<semaphore_mem>>) src(%arg4 : memref<4x32000xf32, #tpu.memory_space<hbm>>) dst(%arg10 : memref<4x32000xf32, #tpu.memory_space<vmem_shared>>)
        tpu.yield
      }) : () -> ()
    } else {
    }
    %mul3A = arith.constant 16 : i32
    %mul3A_2 = arith.muli %arg0, %mul3A : i32
    %add3A = arith.addi %mul3A_2, %arg1 : i32
    %mul3A_3 = arith.constant 10000 : i32
    %mul3A_4 = arith.muli %add3A, %mul3A_3 : i32
    "tpu.region"() ({
      %run_scoped3A_34 = tpu.sem_alloc : memref<!tpu.dma_semaphore, #tpu.memory_space<semaphore_mem>>
      %dma_start3A = arith.constant 0 : i32
      %dma_start3A_35 = tpu.memref_slice %arg5[%dma_start3A] : memref<1000xf32, #tpu.memory_space<hbm>> -> memref<1000xf32, #tpu.memory_space<hbm>>
      %dma_start3A_36 = arith.constant 0 : i32
      %dma_start3A_37 = tpu.memref_slice %arg5[%dma_start3A_36] : memref<1000xf32, #tpu.memory_space<hbm>> -> memref<1000xf32, #tpu.memory_space<hbm>>
      tpu.enqueue_dma source(%dma_start3A_37 : memref<1000xf32, #tpu.memory_space<hbm>>) target(%arg9 : memref<1000xf32, #tpu.memory_space<vmem>>) target_semaphore(%run_scoped3A_34 : memref<!tpu.dma_semaphore, #tpu.memory_space<semaphore_mem>>)
      %dma_wait3A = arith.constant 0 : i32
      %dma_wait3A_38 = tpu.memref_slice %arg5[%dma_wait3A] : memref<1000xf32, #tpu.memory_space<hbm>> -> memref<1000xf32, #tpu.memory_space<hbm>>
      %dma_wait3A_39 = arith.constant 0 : i32
      %dma_wait3A_40 = tpu.memref_slice %arg5[%dma_wait3A_39] : memref<1000xf32, #tpu.memory_space<hbm>> -> memref<1000xf32, #tpu.memory_space<hbm>>
      tpu.wait_dma2 semaphore(%run_scoped3A_34 : memref<!tpu.dma_semaphore, #tpu.memory_space<semaphore_mem>>) src(%dma_wait3A_40 : memref<1000xf32, #tpu.memory_space<hbm>>) dst(%arg9 : memref<1000xf32, #tpu.memory_space<vmem>>)
      tpu.yield
    }) : () -> ()
    %barrier3A = arith.constant 0 : index
    tpu.barrier barrier_id(%barrier3A)
    %scan3A = arith.constant 0 : i32
    %scan3A_5 = arith.constant 0 : i32
    %scan3A_6 = arith.constant 10 : i32
    %scan3A_7 = arith.addi %scan3A_5, %scan3A_6 : i32
    %scan3A_8 = arith.constant 1 : i32
    scf.for %scan3A_34 = %scan3A_5 to %scan3A_7 step %scan3A_8  : i32 {
      %mul3A_35 = arith.constant 1000 : i32
      %mul3A_36 = arith.muli %scan3A_34, %mul3A_35 : i32
      %add3A_37 = arith.addi %mul3A_4, %mul3A_36 : i32
      "tpu.region"() ({
        %run_scoped3A_45 = tpu.sem_alloc : memref<!tpu.dma_semaphore, #tpu.memory_space<semaphore_mem>>
        %dma_start3A = tpu.memref_slice %arg3[%add3A_37] : memref<320000xi32, #tpu.memory_space<hbm>> -> memref<1000xi32, #tpu.memory_space<hbm>>
        %dma_start3A_46 = tpu.memref_slice %arg3[%add3A_37] : memref<320000xi32, #tpu.memory_space<hbm>> -> memref<1000xi32, #tpu.memory_space<hbm>>
        tpu.enqueue_dma source(%dma_start3A_46 : memref<1000xi32, #tpu.memory_space<hbm>>) target(%arg7 : memref<1000xi32, #tpu.memory_space<vmem>>) target_semaphore(%run_scoped3A_45 : memref<!tpu.dma_semaphore, #tpu.memory_space<semaphore_mem>>)
        %dma_wait3A = tpu.memref_slice %arg3[%add3A_37] : memref<320000xi32, #tpu.memory_space<hbm>> -> memref<1000xi32, #tpu.memory_space<hbm>>
        %dma_wait3A_47 = tpu.memref_slice %arg3[%add3A_37] : memref<320000xi32, #tpu.memory_space<hbm>> -> memref<1000xi32, #tpu.memory_space<hbm>>
        tpu.wait_dma2 semaphore(%run_scoped3A_45 : memref<!tpu.dma_semaphore, #tpu.memory_space<semaphore_mem>>) src(%dma_wait3A_47 : memref<1000xi32, #tpu.memory_space<hbm>>) dst(%arg7 : memref<1000xi32, #tpu.memory_space<vmem>>)
        tpu.yield
      }) : () -> ()
      %run_scoped3A_38 = arith.constant 0 : i32
      "tpu.region"() ({
        %run_scoped3A_45 = tpu.sem_alloc : memref<!tpu.dma_semaphore, #tpu.memory_space<semaphore_mem>>
        %dma_start3A = tpu.memref_slice %arg2[%run_scoped3A_38, %add3A_37] : memref<3x320000xf32, #tpu.memory_space<hbm>> -> memref<1x1000xf32, #tpu.memory_space<hbm>>
        %dma_start3A_46 = tpu.memref_squeeze %dma_start3A : memref<1x1000xf32, #tpu.memory_space<hbm>> -> memref<1000xf32, #tpu.memory_space<hbm>>
        %dma_start3A_47 = tpu.memref_slice %arg2[%run_scoped3A_38, %add3A_37] : memref<3x320000xf32, #tpu.memory_space<hbm>> -> memref<1x1000xf32, #tpu.memory_space<hbm>>
        %dma_start3A_48 = tpu.memref_squeeze %dma_start3A_47 : memref<1x1000xf32, #tpu.memory_space<hbm>> -> memref<1000xf32, #tpu.memory_space<hbm>>
        tpu.enqueue_dma source(%dma_start3A_48 : memref<1000xf32, #tpu.memory_space<hbm>>) target(%arg8 : memref<1000xf32, #tpu.memory_space<vmem>>) target_semaphore(%run_scoped3A_45 : memref<!tpu.dma_semaphore, #tpu.memory_space<semaphore_mem>>)
        %dma_wait3A = tpu.memref_slice %arg2[%run_scoped3A_38, %add3A_37] : memref<3x320000xf32, #tpu.memory_space<hbm>> -> memref<1x1000xf32, #tpu.memory_space<hbm>>
        %dma_wait3A_49 = tpu.memref_squeeze %dma_wait3A : memref<1x1000xf32, #tpu.memory_space<hbm>> -> memref<1000xf32, #tpu.memory_space<hbm>>
        %dma_wait3A_50 = tpu.memref_slice %arg2[%run_scoped3A_38, %add3A_37] : memref<3x320000xf32, #tpu.memory_space<hbm>> -> memref<1x1000xf32, #tpu.memory_space<hbm>>
        %dma_wait3A_51 = tpu.memref_squeeze %dma_wait3A_50 : memref<1x1000xf32, #tpu.memory_space<hbm>> -> memref<1000xf32, #tpu.memory_space<hbm>>
        tpu.wait_dma2 semaphore(%run_scoped3A_45 : memref<!tpu.dma_semaphore, #tpu.memory_space<semaphore_mem>>) src(%dma_wait3A_51 : memref<1000xf32, #tpu.memory_space<hbm>>) dst(%arg8 : memref<1000xf32, #tpu.memory_space<vmem>>)
        tpu.yield
      }) : () -> ()
      %run_scoped3A_39 = arith.constant 0 : i32
      "tpu.region"() ({
        %run_scoped3A_45 = tpu.sem_alloc : memref<!tpu.dma_semaphore, #tpu.memory_space<semaphore_mem>>
        %dma_start3A = arith.constant 0 : i32
        %dma_start3A_46 = tpu.memref_slice %arg10[%run_scoped3A_39, %dma_start3A] : memref<4x32000xf32, #tpu.memory_space<vmem_shared>> -> memref<1x32000xf32, #tpu.memory_space<vmem_shared>>
        %dma_start3A_47 = tpu.memref_squeeze %dma_start3A_46 : memref<1x32000xf32, #tpu.memory_space<vmem_shared>> -> memref<32000xf32, #tpu.memory_space<vmem_shared>>
        %dma_start3A_48 = arith.constant 0 : i32
        %dma_start3A_49 = tpu.memref_slice %dma_start3A_47[%dma_start3A_48] : memref<32000xf32, #tpu.memory_space<vmem_shared>> -> memref<32000xf32, #tpu.memory_space<vmem_shared>>
        tpu.enqueue_indirect_dma source(%arg8 : memref<1000xf32, #tpu.memory_space<vmem>>) target(%dma_start3A_49 : memref<32000xf32, #tpu.memory_space<vmem_shared>>) offsets(%arg7 : memref<1000xi32, #tpu.memory_space<vmem>>) semaphore(%run_scoped3A_45 : memref<!tpu.dma_semaphore, #tpu.memory_space<semaphore_mem>>) {add = true}
        %dma_wait3A = arith.constant 0 : i32
        %dma_wait3A_50 = tpu.memref_slice %arg10[%run_scoped3A_39, %dma_wait3A] : memref<4x32000xf32, #tpu.memory_space<vmem_shared>> -> memref<1x32000xf32, #tpu.memory_space<vmem_shared>>
        %dma_wait3A_51 = tpu.memref_squeeze %dma_wait3A_50 : memref<1x32000xf32, #tpu.memory_space<vmem_shared>> -> memref<32000xf32, #tpu.memory_space<vmem_shared>>
        %dma_wait3A_52 = arith.constant 0 : i32
        %dma_wait3A_53 = tpu.memref_slice %dma_wait3A_51[%dma_wait3A_52] : memref<32000xf32, #tpu.memory_space<vmem_shared>> -> memref<32000xf32, #tpu.memory_space<vmem_shared>>
        tpu.wait_indirect_dma semaphore(%run_scoped3A_45 : memref<!tpu.dma_semaphore, #tpu.memory_space<semaphore_mem>>) src(%arg8 : memref<1000xf32, #tpu.memory_space<vmem>>) dst(%dma_wait3A_53 : memref<32000xf32, #tpu.memory_space<vmem_shared>>)
        tpu.yield
      }) : () -> ()
      %run_scoped3A_40 = arith.constant 1 : i32
      "tpu.region"() ({
        %run_scoped3A_45 = tpu.sem_alloc : memref<!tpu.dma_semaphore, #tpu.memory_space<semaphore_mem>>
        %dma_start3A = tpu.memref_slice %arg2[%run_scoped3A_40, %add3A_37] : memref<3x320000xf32, #tpu.memory_space<hbm>> -> memref<1x1000xf32, #tpu.memory_space<hbm>>
        %dma_start3A_46 = tpu.memref_squeeze %dma_start3A : memref<1x1000xf32, #tpu.memory_space<hbm>> -> memref<1000xf32, #tpu.memory_space<hbm>>
        %dma_start3A_47 = tpu.memref_slice %arg2[%run_scoped3A_40, %add3A_37] : memref<3x320000xf32, #tpu.memory_space<hbm>> -> memref<1x1000xf32, #tpu.memory_space<hbm>>
        %dma_start3A_48 = tpu.memref_squeeze %dma_start3A_47 : memref<1x1000xf32, #tpu.memory_space<hbm>> -> memref<1000xf32, #tpu.memory_space<hbm>>
        tpu.enqueue_dma source(%dma_start3A_48 : memref<1000xf32, #tpu.memory_space<hbm>>) target(%arg8 : memref<1000xf32, #tpu.memory_space<vmem>>) target_semaphore(%run_scoped3A_45 : memref<!tpu.dma_semaphore, #tpu.memory_space<semaphore_mem>>)
        %dma_wait3A = tpu.memref_slice %arg2[%run_scoped3A_40, %add3A_37] : memref<3x320000xf32, #tpu.memory_space<hbm>> -> memref<1x1000xf32, #tpu.memory_space<hbm>>
        %dma_wait3A_49 = tpu.memref_squeeze %dma_wait3A : memref<1x1000xf32, #tpu.memory_space<hbm>> -> memref<1000xf32, #tpu.memory_space<hbm>>
        %dma_wait3A_50 = tpu.memref_slice %arg2[%run_scoped3A_40, %add3A_37] : memref<3x320000xf32, #tpu.memory_space<hbm>> -> memref<1x1000xf32, #tpu.memory_space<hbm>>
        %dma_wait3A_51 = tpu.memref_squeeze %dma_wait3A_50 : memref<1x1000xf32, #tpu.memory_space<hbm>> -> memref<1000xf32, #tpu.memory_space<hbm>>
        tpu.wait_dma2 semaphore(%run_scoped3A_45 : memref<!tpu.dma_semaphore, #tpu.memory_space<semaphore_mem>>) src(%dma_wait3A_51 : memref<1000xf32, #tpu.memory_space<hbm>>) dst(%arg8 : memref<1000xf32, #tpu.memory_space<vmem>>)
        tpu.yield
      }) : () -> ()
      %run_scoped3A_41 = arith.constant 1 : i32
      "tpu.region"() ({
        %run_scoped3A_45 = tpu.sem_alloc : memref<!tpu.dma_semaphore, #tpu.memory_space<semaphore_mem>>
        %dma_start3A = arith.constant 0 : i32
        %dma_start3A_46 = tpu.memref_slice %arg10[%run_scoped3A_41, %dma_start3A] : memref<4x32000xf32, #tpu.memory_space<vmem_shared>> -> memref<1x32000xf32, #tpu.memory_space<vmem_shared>>
        %dma_start3A_47 = tpu.memref_squeeze %dma_start3A_46 : memref<1x32000xf32, #tpu.memory_space<vmem_shared>> -> memref<32000xf32, #tpu.memory_space<vmem_shared>>
        %dma_start3A_48 = arith.constant 0 : i32
        %dma_start3A_49 = tpu.memref_slice %dma_start3A_47[%dma_start3A_48] : memref<32000xf32, #tpu.memory_space<vmem_shared>> -> memref<32000xf32, #tpu.memory_space<vmem_shared>>
        tpu.enqueue_indirect_dma source(%arg8 : memref<1000xf32, #tpu.memory_space<vmem>>) target(%dma_start3A_49 : memref<32000xf32, #tpu.memory_space<vmem_shared>>) offsets(%arg7 : memref<1000xi32, #tpu.memory_space<vmem>>) semaphore(%run_scoped3A_45 : memref<!tpu.dma_semaphore, #tpu.memory_space<semaphore_mem>>) {add = true}
        %dma_wait3A = arith.constant 0 : i32
        %dma_wait3A_50 = tpu.memref_slice %arg10[%run_scoped3A_41, %dma_wait3A] : memref<4x32000xf32, #tpu.memory_space<vmem_shared>> -> memref<1x32000xf32, #tpu.memory_space<vmem_shared>>
        %dma_wait3A_51 = tpu.memref_squeeze %dma_wait3A_50 : memref<1x32000xf32, #tpu.memory_space<vmem_shared>> -> memref<32000xf32, #tpu.memory_space<vmem_shared>>
        %dma_wait3A_52 = arith.constant 0 : i32
        %dma_wait3A_53 = tpu.memref_slice %dma_wait3A_51[%dma_wait3A_52] : memref<32000xf32, #tpu.memory_space<vmem_shared>> -> memref<32000xf32, #tpu.memory_space<vmem_shared>>
        tpu.wait_indirect_dma semaphore(%run_scoped3A_45 : memref<!tpu.dma_semaphore, #tpu.memory_space<semaphore_mem>>) src(%arg8 : memref<1000xf32, #tpu.memory_space<vmem>>) dst(%dma_wait3A_53 : memref<32000xf32, #tpu.memory_space<vmem_shared>>)
        tpu.yield
      }) : () -> ()
      %run_scoped3A_42 = arith.constant 2 : i32
      "tpu.region"() ({
        %run_scoped3A_45 = tpu.sem_alloc : memref<!tpu.dma_semaphore, #tpu.memory_space<semaphore_mem>>
        %dma_start3A = tpu.memref_slice %arg2[%run_scoped3A_42, %add3A_37] : memref<3x320000xf32, #tpu.memory_space<hbm>> -> memref<1x1000xf32, #tpu.memory_space<hbm>>
        %dma_start3A_46 = tpu.memref_squeeze %dma_start3A : memref<1x1000xf32, #tpu.memory_space<hbm>> -> memref<1000xf32, #tpu.memory_space<hbm>>
        %dma_start3A_47 = tpu.memref_slice %arg2[%run_scoped3A_42, %add3A_37] : memref<3x320000xf32, #tpu.memory_space<hbm>> -> memref<1x1000xf32, #tpu.memory_space<hbm>>
        %dma_start3A_48 = tpu.memref_squeeze %dma_start3A_47 : memref<1x1000xf32, #tpu.memory_space<hbm>> -> memref<1000xf32, #tpu.memory_space<hbm>>
        tpu.enqueue_dma source(%dma_start3A_48 : memref<1000xf32, #tpu.memory_space<hbm>>) target(%arg8 : memref<1000xf32, #tpu.memory_space<vmem>>) target_semaphore(%run_scoped3A_45 : memref<!tpu.dma_semaphore, #tpu.memory_space<semaphore_mem>>)
        %dma_wait3A = tpu.memref_slice %arg2[%run_scoped3A_42, %add3A_37] : memref<3x320000xf32, #tpu.memory_space<hbm>> -> memref<1x1000xf32, #tpu.memory_space<hbm>>
        %dma_wait3A_49 = tpu.memref_squeeze %dma_wait3A : memref<1x1000xf32, #tpu.memory_space<hbm>> -> memref<1000xf32, #tpu.memory_space<hbm>>
        %dma_wait3A_50 = tpu.memref_slice %arg2[%run_scoped3A_42, %add3A_37] : memref<3x320000xf32, #tpu.memory_space<hbm>> -> memref<1x1000xf32, #tpu.memory_space<hbm>>
        %dma_wait3A_51 = tpu.memref_squeeze %dma_wait3A_50 : memref<1x1000xf32, #tpu.memory_space<hbm>> -> memref<1000xf32, #tpu.memory_space<hbm>>
        tpu.wait_dma2 semaphore(%run_scoped3A_45 : memref<!tpu.dma_semaphore, #tpu.memory_space<semaphore_mem>>) src(%dma_wait3A_51 : memref<1000xf32, #tpu.memory_space<hbm>>) dst(%arg8 : memref<1000xf32, #tpu.memory_space<vmem>>)
        tpu.yield
      }) : () -> ()
      %run_scoped3A_43 = arith.constant 2 : i32
      "tpu.region"() ({
        %run_scoped3A_45 = tpu.sem_alloc : memref<!tpu.dma_semaphore, #tpu.memory_space<semaphore_mem>>
        %dma_start3A = arith.constant 0 : i32
        %dma_start3A_46 = tpu.memref_slice %arg10[%run_scoped3A_43, %dma_start3A] : memref<4x32000xf32, #tpu.memory_space<vmem_shared>> -> memref<1x32000xf32, #tpu.memory_space<vmem_shared>>
        %dma_start3A_47 = tpu.memref_squeeze %dma_start3A_46 : memref<1x32000xf32, #tpu.memory_space<vmem_shared>> -> memref<32000xf32, #tpu.memory_space<vmem_shared>>
        %dma_start3A_48 = arith.constant 0 : i32
        %dma_start3A_49 = tpu.memref_slice %dma_start3A_47[%dma_start3A_48] : memref<32000xf32, #tpu.memory_space<vmem_shared>> -> memref<32000xf32, #tpu.memory_space<vmem_shared>>
        tpu.enqueue_indirect_dma source(%arg8 : memref<1000xf32, #tpu.memory_space<vmem>>) target(%dma_start3A_49 : memref<32000xf32, #tpu.memory_space<vmem_shared>>) offsets(%arg7 : memref<1000xi32, #tpu.memory_space<vmem>>) semaphore(%run_scoped3A_45 : memref<!tpu.dma_semaphore, #tpu.memory_space<semaphore_mem>>) {add = true}
        %dma_wait3A = arith.constant 0 : i32
        %dma_wait3A_50 = tpu.memref_slice %arg10[%run_scoped3A_43, %dma_wait3A] : memref<4x32000xf32, #tpu.memory_space<vmem_shared>> -> memref<1x32000xf32, #tpu.memory_space<vmem_shared>>
        %dma_wait3A_51 = tpu.memref_squeeze %dma_wait3A_50 : memref<1x32000xf32, #tpu.memory_space<vmem_shared>> -> memref<32000xf32, #tpu.memory_space<vmem_shared>>
        %dma_wait3A_52 = arith.constant 0 : i32
        %dma_wait3A_53 = tpu.memref_slice %dma_wait3A_51[%dma_wait3A_52] : memref<32000xf32, #tpu.memory_space<vmem_shared>> -> memref<32000xf32, #tpu.memory_space<vmem_shared>>
        tpu.wait_indirect_dma semaphore(%run_scoped3A_45 : memref<!tpu.dma_semaphore, #tpu.memory_space<semaphore_mem>>) src(%arg8 : memref<1000xf32, #tpu.memory_space<vmem>>) dst(%dma_wait3A_53 : memref<32000xf32, #tpu.memory_space<vmem_shared>>)
        tpu.yield
      }) : () -> ()
      %run_scoped3A_44 = arith.constant 3 : i32
      "tpu.region"() ({
        %run_scoped3A_45 = tpu.sem_alloc : memref<!tpu.dma_semaphore, #tpu.memory_space<semaphore_mem>>
        %dma_start3A = arith.constant 0 : i32
        %dma_start3A_46 = tpu.memref_slice %arg10[%run_scoped3A_44, %dma_start3A] : memref<4x32000xf32, #tpu.memory_space<vmem_shared>> -> memref<1x32000xf32, #tpu.memory_space<vmem_shared>>
        %dma_start3A_47 = tpu.memref_squeeze %dma_start3A_46 : memref<1x32000xf32, #tpu.memory_space<vmem_shared>> -> memref<32000xf32, #tpu.memory_space<vmem_shared>>
        %dma_start3A_48 = arith.constant 0 : i32
        %dma_start3A_49 = tpu.memref_slice %dma_start3A_47[%dma_start3A_48] : memref<32000xf32, #tpu.memory_space<vmem_shared>> -> memref<32000xf32, #tpu.memory_space<vmem_shared>>
        tpu.enqueue_indirect_dma source(%arg9 : memref<1000xf32, #tpu.memory_space<vmem>>) target(%dma_start3A_49 : memref<32000xf32, #tpu.memory_space<vmem_shared>>) offsets(%arg7 : memref<1000xi32, #tpu.memory_space<vmem>>) semaphore(%run_scoped3A_45 : memref<!tpu.dma_semaphore, #tpu.memory_space<semaphore_mem>>) {add = true}
        %dma_wait3A = arith.constant 0 : i32
        %dma_wait3A_50 = tpu.memref_slice %arg10[%run_scoped3A_44, %dma_wait3A] : memref<4x32000xf32, #tpu.memory_space<vmem_shared>> -> memref<1x32000xf32, #tpu.memory_space<vmem_shared>>
        %dma_wait3A_51 = tpu.memref_squeeze %dma_wait3A_50 : memref<1x32000xf32, #tpu.memory_space<vmem_shared>> -> memref<32000xf32, #tpu.memory_space<vmem_shared>>
        %dma_wait3A_52 = arith.constant 0 : i32
        %dma_wait3A_53 = tpu.memref_slice %dma_wait3A_51[%dma_wait3A_52] : memref<32000xf32, #tpu.memory_space<vmem_shared>> -> memref<32000xf32, #tpu.memory_space<vmem_shared>>
        tpu.wait_indirect_dma semaphore(%run_scoped3A_45 : memref<!tpu.dma_semaphore, #tpu.memory_space<semaphore_mem>>) src(%arg9 : memref<1000xf32, #tpu.memory_space<vmem>>) dst(%dma_wait3A_53 : memref<32000xf32, #tpu.memory_space<vmem_shared>>)
        tpu.yield
      }) : () -> ()
    }
    %scan3A_9 = arith.constant 10 : i32
    %barrier3A_10 = arith.constant 0 : index
    tpu.barrier barrier_id(%barrier3A_10)
    %mul3A_11 = arith.constant 2000 : i32
    %mul3A_12 = arith.muli %arg1, %mul3A_11 : i32
    %mul3A_13 = arith.constant 2000 : i32
    %mul3A_14 = arith.muli %arg1, %mul3A_13 : i32
    %run_scoped3A = arith.constant 0 : i32
    %run_scoped3A_15 = arith.constant 0 : i32
    "tpu.region"() ({
      %run_scoped3A_34 = tpu.sem_alloc : memref<!tpu.dma_semaphore, #tpu.memory_space<semaphore_mem>>
      %dma_start3A = tpu.memref_slice %arg6[%arg0, %run_scoped3A_15, %mul3A_14] : memref<2x4x32000xf32, #tpu.memory_space<hbm>> -> memref<1x1x2000xf32, #tpu.memory_space<hbm>>
      %dma_start3A_35 = tpu.memref_squeeze %dma_start3A : memref<1x1x2000xf32, #tpu.memory_space<hbm>> -> memref<2000xf32, #tpu.memory_space<hbm>>
      %dma_start3A_36 = tpu.memref_slice %arg10[%run_scoped3A, %mul3A_12] : memref<4x32000xf32, #tpu.memory_space<vmem_shared>> -> memref<1x2000xf32, #tpu.memory_space<vmem_shared>>
      %dma_start3A_37 = tpu.memref_squeeze %dma_start3A_36 : memref<1x2000xf32, #tpu.memory_space<vmem_shared>> -> memref<2000xf32, #tpu.memory_space<vmem_shared>>
      tpu.enqueue_dma source(%dma_start3A_37 : memref<2000xf32, #tpu.memory_space<vmem_shared>>) target(%dma_start3A_35 : memref<2000xf32, #tpu.memory_space<hbm>>) target_semaphore(%run_scoped3A_34 : memref<!tpu.dma_semaphore, #tpu.memory_space<semaphore_mem>>)
      %dma_wait3A = tpu.memref_slice %arg6[%arg0, %run_scoped3A_15, %mul3A_14] : memref<2x4x32000xf32, #tpu.memory_space<hbm>> -> memref<1x1x2000xf32, #tpu.memory_space<hbm>>
      %dma_wait3A_38 = tpu.memref_squeeze %dma_wait3A : memref<1x1x2000xf32, #tpu.memory_space<hbm>> -> memref<2000xf32, #tpu.memory_space<hbm>>
      %dma_wait3A_39 = tpu.memref_slice %arg10[%run_scoped3A, %mul3A_12] : memref<4x32000xf32, #tpu.memory_space<vmem_shared>> -> memref<1x2000xf32, #tpu.memory_space<vmem_shared>>
      %dma_wait3A_40 = tpu.memref_squeeze %dma_wait3A_39 : memref<1x2000xf32, #tpu.memory_space<vmem_shared>> -> memref<2000xf32, #tpu.memory_space<vmem_shared>>
      tpu.wait_dma2 semaphore(%run_scoped3A_34 : memref<!tpu.dma_semaphore, #tpu.memory_space<semaphore_mem>>) src(%dma_wait3A_40 : memref<2000xf32, #tpu.memory_space<vmem_shared>>) dst(%dma_wait3A_38 : memref<2000xf32, #tpu.memory_space<hbm>>)
      tpu.yield
    }) : () -> ()
    %mul3A_16 = arith.constant 2000 : i32
    %mul3A_17 = arith.muli %arg1, %mul3A_16 : i32
    %mul3A_18 = arith.constant 2000 : i32
    %mul3A_19 = arith.muli %arg1, %mul3A_18 : i32
    %run_scoped3A_20 = arith.constant 1 : i32
    %run_scoped3A_21 = arith.constant 1 : i32
    "tpu.region"() ({
      %run_scoped3A_34 = tpu.sem_alloc : memref<!tpu.dma_semaphore, #tpu.memory_space<semaphore_mem>>
      %dma_start3A = tpu.memref_slice %arg6[%arg0, %run_scoped3A_21, %mul3A_19] : memref<2x4x32000xf32, #tpu.memory_space<hbm>> -> memref<1x1x2000xf32, #tpu.memory_space<hbm>>
      %dma_start3A_35 = tpu.memref_squeeze %dma_start3A : memref<1x1x2000xf32, #tpu.memory_space<hbm>> -> memref<2000xf32, #tpu.memory_space<hbm>>
      %dma_start3A_36 = tpu.memref_slice %arg10[%run_scoped3A_20, %mul3A_17] : memref<4x32000xf32, #tpu.memory_space<vmem_shared>> -> memref<1x2000xf32, #tpu.memory_space<vmem_shared>>
      %dma_start3A_37 = tpu.memref_squeeze %dma_start3A_36 : memref<1x2000xf32, #tpu.memory_space<vmem_shared>> -> memref<2000xf32, #tpu.memory_space<vmem_shared>>
      tpu.enqueue_dma source(%dma_start3A_37 : memref<2000xf32, #tpu.memory_space<vmem_shared>>) target(%dma_start3A_35 : memref<2000xf32, #tpu.memory_space<hbm>>) target_semaphore(%run_scoped3A_34 : memref<!tpu.dma_semaphore, #tpu.memory_space<semaphore_mem>>)
      %dma_wait3A = tpu.memref_slice %arg6[%arg0, %run_scoped3A_21, %mul3A_19] : memref<2x4x32000xf32, #tpu.memory_space<hbm>> -> memref<1x1x2000xf32, #tpu.memory_space<hbm>>
      %dma_wait3A_38 = tpu.memref_squeeze %dma_wait3A : memref<1x1x2000xf32, #tpu.memory_space<hbm>> -> memref<2000xf32, #tpu.memory_space<hbm>>
      %dma_wait3A_39 = tpu.memref_slice %arg10[%run_scoped3A_20, %mul3A_17] : memref<4x32000xf32, #tpu.memory_space<vmem_shared>> -> memref<1x2000xf32, #tpu.memory_space<vmem_shared>>
      %dma_wait3A_40 = tpu.memref_squeeze %dma_wait3A_39 : memref<1x2000xf32, #tpu.memory_space<vmem_shared>> -> memref<2000xf32, #tpu.memory_space<vmem_shared>>
      tpu.wait_dma2 semaphore(%run_scoped3A_34 : memref<!tpu.dma_semaphore, #tpu.memory_space<semaphore_mem>>) src(%dma_wait3A_40 : memref<2000xf32, #tpu.memory_space<vmem_shared>>) dst(%dma_wait3A_38 : memref<2000xf32, #tpu.memory_space<hbm>>)
      tpu.yield
    }) : () -> ()
    %mul3A_22 = arith.constant 2000 : i32
    %mul3A_23 = arith.muli %arg1, %mul3A_22 : i32
    %mul3A_24 = arith.constant 2000 : i32
    %mul3A_25 = arith.muli %arg1, %mul3A_24 : i32
    %run_scoped3A_26 = arith.constant 2 : i32
    %run_scoped3A_27 = arith.constant 2 : i32
    "tpu.region"() ({
      %run_scoped3A_34 = tpu.sem_alloc : memref<!tpu.dma_semaphore, #tpu.memory_space<semaphore_mem>>
      %dma_start3A = tpu.memref_slice %arg6[%arg0, %run_scoped3A_27, %mul3A_25] : memref<2x4x32000xf32, #tpu.memory_space<hbm>> -> memref<1x1x2000xf32, #tpu.memory_space<hbm>>
      %dma_start3A_35 = tpu.memref_squeeze %dma_start3A : memref<1x1x2000xf32, #tpu.memory_space<hbm>> -> memref<2000xf32, #tpu.memory_space<hbm>>
      %dma_start3A_36 = tpu.memref_slice %arg10[%run_scoped3A_26, %mul3A_23] : memref<4x32000xf32, #tpu.memory_space<vmem_shared>> -> memref<1x2000xf32, #tpu.memory_space<vmem_shared>>
      %dma_start3A_37 = tpu.memref_squeeze %dma_start3A_36 : memref<1x2000xf32, #tpu.memory_space<vmem_shared>> -> memref<2000xf32, #tpu.memory_space<vmem_shared>>
      tpu.enqueue_dma source(%dma_start3A_37 : memref<2000xf32, #tpu.memory_space<vmem_shared>>) target(%dma_start3A_35 : memref<2000xf32, #tpu.memory_space<hbm>>) target_semaphore(%run_scoped3A_34 : memref<!tpu.dma_semaphore, #tpu.memory_space<semaphore_mem>>)
      %dma_wait3A = tpu.memref_slice %arg6[%arg0, %run_scoped3A_27, %mul3A_25] : memref<2x4x32000xf32, #tpu.memory_space<hbm>> -> memref<1x1x2000xf32, #tpu.memory_space<hbm>>
      %dma_wait3A_38 = tpu.memref_squeeze %dma_wait3A : memref<1x1x2000xf32, #tpu.memory_space<hbm>> -> memref<2000xf32, #tpu.memory_space<hbm>>
      %dma_wait3A_39 = tpu.memref_slice %arg10[%run_scoped3A_26, %mul3A_23] : memref<4x32000xf32, #tpu.memory_space<vmem_shared>> -> memref<1x2000xf32, #tpu.memory_space<vmem_shared>>
      %dma_wait3A_40 = tpu.memref_squeeze %dma_wait3A_39 : memref<1x2000xf32, #tpu.memory_space<vmem_shared>> -> memref<2000xf32, #tpu.memory_space<vmem_shared>>
      tpu.wait_dma2 semaphore(%run_scoped3A_34 : memref<!tpu.dma_semaphore, #tpu.memory_space<semaphore_mem>>) src(%dma_wait3A_40 : memref<2000xf32, #tpu.memory_space<vmem_shared>>) dst(%dma_wait3A_38 : memref<2000xf32, #tpu.memory_space<hbm>>)
      tpu.yield
    }) : () -> ()
    %mul3A_28 = arith.constant 2000 : i32
    %mul3A_29 = arith.muli %arg1, %mul3A_28 : i32
    %mul3A_30 = arith.constant 2000 : i32
    %mul3A_31 = arith.muli %arg1, %mul3A_30 : i32
    %run_scoped3A_32 = arith.constant 3 : i32
    %run_scoped3A_33 = arith.constant 3 : i32
    "tpu.region"() ({
      %run_scoped3A_34 = tpu.sem_alloc : memref<!tpu.dma_semaphore, #tpu.memory_space<semaphore_mem>>
      %dma_start3A = tpu.memref_slice %arg6[%arg0, %run_scoped3A_33, %mul3A_31] : memref<2x4x32000xf32, #tpu.memory_space<hbm>> -> memref<1x1x2000xf32, #tpu.memory_space<hbm>>
      %dma_start3A_35 = tpu.memref_squeeze %dma_start3A : memref<1x1x2000xf32, #tpu.memory_space<hbm>> -> memref<2000xf32, #tpu.memory_space<hbm>>
      %dma_start3A_36 = tpu.memref_slice %arg10[%run_scoped3A_32, %mul3A_29] : memref<4x32000xf32, #tpu.memory_space<vmem_shared>> -> memref<1x2000xf32, #tpu.memory_space<vmem_shared>>
      %dma_start3A_37 = tpu.memref_squeeze %dma_start3A_36 : memref<1x2000xf32, #tpu.memory_space<vmem_shared>> -> memref<2000xf32, #tpu.memory_space<vmem_shared>>
      tpu.enqueue_dma source(%dma_start3A_37 : memref<2000xf32, #tpu.memory_space<vmem_shared>>) target(%dma_start3A_35 : memref<2000xf32, #tpu.memory_space<hbm>>) target_semaphore(%run_scoped3A_34 : memref<!tpu.dma_semaphore, #tpu.memory_space<semaphore_mem>>)
      %dma_wait3A = tpu.memref_slice %arg6[%arg0, %run_scoped3A_33, %mul3A_31] : memref<2x4x32000xf32, #tpu.memory_space<hbm>> -> memref<1x1x2000xf32, #tpu.memory_space<hbm>>
      %dma_wait3A_38 = tpu.memref_squeeze %dma_wait3A : memref<1x1x2000xf32, #tpu.memory_space<hbm>> -> memref<2000xf32, #tpu.memory_space<hbm>>
      %dma_wait3A_39 = tpu.memref_slice %arg10[%run_scoped3A_32, %mul3A_29] : memref<4x32000xf32, #tpu.memory_space<vmem_shared>> -> memref<1x2000xf32, #tpu.memory_space<vmem_shared>>
      %dma_wait3A_40 = tpu.memref_squeeze %dma_wait3A_39 : memref<1x2000xf32, #tpu.memory_space<vmem_shared>> -> memref<2000xf32, #tpu.memory_space<vmem_shared>>
      tpu.wait_dma2 semaphore(%run_scoped3A_34 : memref<!tpu.dma_semaphore, #tpu.memory_space<semaphore_mem>>) src(%dma_wait3A_40 : memref<2000xf32, #tpu.memory_space<vmem_shared>>) dst(%dma_wait3A_38 : memref<2000xf32, #tpu.memory_space<hbm>>)
      tpu.yield
    }) : () -> ()
    return
  }
}

module attributes {stable_mosaic.version = 14 : i64} {
  func.func @_prep_body(%arg0: i32, %arg1: memref<1x3200xf32, #tpu.memory_space<vmem>>, %arg2: memref<1x64xf32, #tpu.memory_space<vmem>>, %arg3: memref<1x64xi32, #tpu.memory_space<vmem>>, %arg4: memref<1x50xf32, #tpu.memory_space<vmem>>, %arg5: memref<1x3200xi32, #tpu.memory_space<vmem>>, %arg6: memref<3200x1xi32, #tpu.memory_space<vmem>>, %arg7: memref<3x3200xf32, #tpu.memory_space<vmem>>, %arg8: memref<4x3200xf32, #tpu.memory_space<vmem>>, %arg9: memref<1x64xf32, #tpu.memory_space<vmem>>) attributes {dimension_semantics = [#tpu.dimension_semantics<arbitrary>], iteration_bounds = array<i64: 10>, scalar_prefetch = 0 : i64, scratch_operands = 0 : i64, tpu.core_type = #tpu.core_type<tc>, window_params = [{transform_indices = @transform_0, window_bounds = array<i64: 1, 3200>}, {pipeline_mode = #tpu.pipeline_mode<synchronous>, transform_indices = @transform_1, window_bounds = array<i64: 1, 64>}, {pipeline_mode = #tpu.pipeline_mode<synchronous>, transform_indices = @transform_2, window_bounds = array<i64: 1, 64>}, {pipeline_mode = #tpu.pipeline_mode<synchronous>, transform_indices = @transform_3, window_bounds = array<i64: 1, 50>}, {transform_indices = @transform_4, window_bounds = array<i64: 1, 3200>}, {transform_indices = @transform_5, window_bounds = array<i64: 3200, 1>}, {transform_indices = @transform_6, window_bounds = array<i64: 3, 3200>}, {transform_indices = @transform_7, window_bounds = array<i64: 4, 3200>}, {pipeline_mode = #tpu.pipeline_mode<synchronous>, transform_indices = @transform_8, window_bounds = array<i64: 1, 64>}]} {
    %eq3A = arith.constant 0 : i32
    %eq3A_0 = arith.cmpi eq, %arg0, %eq3A : i32
    %convert_element_type3A = arith.extui %eq3A_0 : i1 to i32
    %cond3A = arith.constant 0 : i32
    %cond3A_1 = arith.cmpi ne, %convert_element_type3A, %cond3A : i32
    scf.if %cond3A_1 {
      %broadcast_in_dim3A = arith.constant 0.000000e+00 : f32
      %broadcast_in_dim3A_60 = vector.broadcast %broadcast_in_dim3A : f32 to vector<1x64xf32>
      %swap3A_61 = arith.constant 0 : index
      %swap3A_62 = arith.constant 0 : index
      %swap3A_63 = vector.load %arg9[%swap3A_61, %swap3A_62] : memref<1x64xf32, #tpu.memory_space<vmem>>, vector<1x64xf32>
      tpu.vector_store %arg9[%swap3A_61, %swap3A_62], %broadcast_in_dim3A_60 {strides = array<i32>} : memref<1x64xf32, #tpu.memory_space<vmem>>, vector<1x64xf32>,
    } else {
    }
    %get3A = arith.constant 0 : index
    %get3A_2 = arith.constant 0 : index
    %get3A_3 = vector.load %arg3[%get3A, %get3A_2] : memref<1x64xi32, #tpu.memory_space<vmem>>, vector<1x64xi32>
    %iota3A = tpu.iota {dimensions = array<i32: 0>} : vector<50x64xi32>
    %eq3A_4 = vector.broadcast %get3A_3 : vector<1x64xi32> to vector<50x64xi32>
    %eq3A_5 = arith.cmpi eq, %iota3A, %eq3A_4 : vector<50x64xi32>
    %convert_element_type3A_6 = arith.extui %eq3A_5 : vector<50x64xi1> to vector<50x64xi32>
    %convert_element_type3A_7 = arith.sitofp %convert_element_type3A_6 : vector<50x64xi32> to vector<50x64xf32>
    %get3A_8 = arith.constant 0 : index
    %get3A_9 = arith.constant 0 : index
    %get3A_10 = vector.load %arg4[%get3A_8, %get3A_9] : memref<1x50xf32, #tpu.memory_space<vmem>>, vector<1x50xf32>
    %dot_general3A = arith.constant dense<0.000000e+00> : vector<1x64xf32>
    %dot_general3A_11 = tpu.matmul %get3A_10, %convert_element_type3A_7, %dot_general3A {dimension_numbers = #tpu.dot_dimension_numbers<[1], [0], [0], [1], [0, 0, 1, 1], [], []>, transpose_lhs_hint = false} : vector<1x50xf32>, vector<50x64xf32>, vector<1x64xf32> -> vector<1x64xf32>
    %get3A_12 = arith.constant 0 : index
    %get3A_13 = arith.constant 0 : index
    %get3A_14 = vector.load %arg5[%get3A_12, %get3A_13] : memref<1x3200xi32, #tpu.memory_space<vmem>>, vector<1x3200xi32>
    %iota3A_15 = tpu.iota {dimensions = array<i32: 0>} : vector<64x3200xi32>
    %eq3A_16 = vector.broadcast %get3A_14 : vector<1x3200xi32> to vector<64x3200xi32>
    %eq3A_17 = arith.cmpi eq, %iota3A_15, %eq3A_16 : vector<64x3200xi32>
    %convert_element_type3A_18 = arith.extui %eq3A_17 : vector<64x3200xi1> to vector<64x3200xi32>
    %convert_element_type3A_19 = arith.sitofp %convert_element_type3A_18 : vector<64x3200xi32> to vector<64x3200xf32>
    %dot_general3A_20 = arith.constant dense<0.000000e+00> : vector<1x3200xf32>
    %dot_general3A_21 = tpu.matmul %dot_general3A_11, %convert_element_type3A_19, %dot_general3A_20 {dimension_numbers = #tpu.dot_dimension_numbers<[1], [0], [0], [1], [0, 0, 1, 1], [], []>, transpose_lhs_hint = false} : vector<1x64xf32>, vector<64x3200xf32>, vector<1x3200xf32> -> vector<1x3200xf32>
    %get3A_22 = arith.constant 0 : index
    %get3A_23 = arith.constant 0 : index
    %get3A_24 = vector.load %arg2[%get3A_22, %get3A_23] : memref<1x64xf32, #tpu.memory_space<vmem>>, vector<1x64xf32>
    %dot_general3A_25 = arith.constant dense<0.000000e+00> : vector<1x3200xf32>
    %dot_general3A_26 = tpu.matmul %get3A_24, %convert_element_type3A_19, %dot_general3A_25 {dimension_numbers = #tpu.dot_dimension_numbers<[1], [0], [0], [1], [0, 0, 1, 1], [], []>, transpose_lhs_hint = false} : vector<1x64xf32>, vector<64x3200xf32>, vector<1x3200xf32> -> vector<1x3200xf32>
    %get3A_27 = arith.constant 0 : index
    %get3A_28 = arith.constant 0 : index
    %get3A_29 = vector.load %arg1[%get3A_27, %get3A_28] : memref<1x3200xf32, #tpu.memory_space<vmem>>, vector<1x3200xf32>
    %max3A = arith.constant 1.000000e+00 : f32
    %max3A_30 = vector.broadcast %max3A : f32 to vector<1x3200xf32>
    %max3A_31 = arith.maximumf %get3A_29, %max3A_30 : vector<1x3200xf32>
    %max3A_32 = arith.constant 1.000000e+00 : f32
    %max3A_33 = vector.broadcast %max3A_32 : f32 to vector<1x3200xf32>
    %max3A_34 = arith.maximumf %dot_general3A_26, %max3A_33 : vector<1x3200xf32>
    %mul3A = arith.mulf %max3A_31, %max3A_34 : vector<1x3200xf32>
    %div3A = arith.constant 1.000000e+00 : f32
    %div3A_35 = vector.broadcast %div3A : f32 to vector<1x3200xf32>
    %div3A_36 = arith.divf %div3A_35, %mul3A : vector<1x3200xf32>
    %get3A_37 = arith.constant 0 : index
    %get3A_38 = arith.constant 0 : index
    %get3A_39 = vector.load %arg7[%get3A_37, %get3A_38] : memref<3x3200xf32, #tpu.memory_space<vmem>>, vector<3x3200xf32>
    %mul3A_40 = vector.broadcast %dot_general3A_21 : vector<1x3200xf32> to vector<3x3200xf32>
    %mul3A_41 = arith.mulf %get3A_39, %mul3A_40 : vector<3x3200xf32>
    %concatenate3A = tpu.concatenate %mul3A_41, %div3A_36 in 0 : vector<3x3200xf32>, vector<1x3200xf32> -> vector<4x3200xf32>
    %swap3A = arith.constant 0 : index
    %swap3A_42 = arith.constant 0 : index
    %swap3A_43 = vector.load %arg8[%swap3A, %swap3A_42] : memref<4x3200xf32, #tpu.memory_space<vmem>>, vector<4x3200xf32>
    tpu.vector_store %arg8[%swap3A, %swap3A_42], %concatenate3A {strides = array<i32>} : memref<4x3200xf32, #tpu.memory_space<vmem>>, vector<4x3200xf32>,
    %get3A_44 = arith.constant 0 : index
    %get3A_45 = arith.constant 0 : index
    %get3A_46 = vector.load %arg6[%get3A_44, %get3A_45] : memref<3200x1xi32, #tpu.memory_space<vmem>>, vector<3200x1xi32>
    %iota3A_47 = tpu.iota {dimensions = array<i32: 1>} : vector<3200x64xi32>
    %eq3A_48 = vector.broadcast %get3A_46 : vector<3200x1xi32> to vector<3200x64xi32>
    %eq3A_49 = arith.cmpi eq, %iota3A_47, %eq3A_48 : vector<3200x64xi32>
    %convert_element_type3A_50 = arith.extui %eq3A_49 : vector<3200x64xi1> to vector<3200x64xi32>
    %convert_element_type3A_51 = arith.sitofp %convert_element_type3A_50 : vector<3200x64xi32> to vector<3200x64xf32>
    %get3A_52 = arith.constant 0 : index
    %get3A_53 = arith.constant 0 : index
    %get3A_54 = vector.load %arg9[%get3A_52, %get3A_53] : memref<1x64xf32, #tpu.memory_space<vmem>>, vector<1x64xf32>
    %dot_general3A_55 = arith.constant dense<0.000000e+00> : vector<1x64xf32>
    %dot_general3A_56 = tpu.matmul %get3A_29, %convert_element_type3A_51, %dot_general3A_55 {dimension_numbers = #tpu.dot_dimension_numbers<[1], [0], [0], [1], [0, 0, 1, 1], [], []>, transpose_lhs_hint = false} : vector<1x3200xf32>, vector<3200x64xf32>, vector<1x64xf32> -> vector<1x64xf32>
    %add3A = arith.addf %get3A_54, %dot_general3A_56 : vector<1x64xf32>
    %swap3A_57 = arith.constant 0 : index
    %swap3A_58 = arith.constant 0 : index
    %swap3A_59 = vector.load %arg9[%swap3A_57, %swap3A_58] : memref<1x64xf32, #tpu.memory_space<vmem>>, vector<1x64xf32>
    tpu.vector_store %arg9[%swap3A_57, %swap3A_58], %add3A {strides = array<i32>} : memref<1x64xf32, #tpu.memory_space<vmem>>, vector<1x64xf32>,
    return
  }
  func.func @transform_0(%arg0: i32) -> (i32, i32) {
    %c0_i32 = arith.constant 0 : i32
    %c0_i32_0 = arith.constant 0 : i32
    return %c0_i32, %arg0 : i32, i32
  }
  func.func @transform_1(%arg0: i32) -> (i32, i32) {
    %c0_i32 = arith.constant 0 : i32
    %c0_i32_0 = arith.constant 0 : i32
    %c0_i32_1 = arith.constant 0 : i32
    return %c0_i32, %c0_i32_0 : i32, i32
  }
  func.func @transform_2(%arg0: i32) -> (i32, i32) {
    %c0_i32 = arith.constant 0 : i32
    %c0_i32_0 = arith.constant 0 : i32
    %c0_i32_1 = arith.constant 0 : i32
    return %c0_i32, %c0_i32_0 : i32, i32
  }
  func.func @transform_3(%arg0: i32) -> (i32, i32) {
    %c0_i32 = arith.constant 0 : i32
    %c0_i32_0 = arith.constant 0 : i32
    %c0_i32_1 = arith.constant 0 : i32
    return %c0_i32, %c0_i32_0 : i32, i32
  }
  func.func @transform_4(%arg0: i32) -> (i32, i32) {
    %c0_i32 = arith.constant 0 : i32
    %c0_i32_0 = arith.constant 0 : i32
    return %c0_i32, %arg0 : i32, i32
  }
  func.func @transform_5(%arg0: i32) -> (i32, i32) {
    %c0_i32 = arith.constant 0 : i32
    %c0_i32_0 = arith.constant 0 : i32
    return %arg0, %c0_i32 : i32, i32
  }
  func.func @transform_6(%arg0: i32) -> (i32, i32) {
    %c0_i32 = arith.constant 0 : i32
    %c0_i32_0 = arith.constant 0 : i32
    return %c0_i32, %arg0 : i32, i32
  }
  func.func @transform_7(%arg0: i32) -> (i32, i32) {
    %c0_i32 = arith.constant 0 : i32
    %c0_i32_0 = arith.constant 0 : i32
    return %c0_i32, %arg0 : i32, i32
  }
  func.func @transform_8(%arg0: i32) -> (i32, i32) {
    %c0_i32 = arith.constant 0 : i32
    %c0_i32_0 = arith.constant 0 : i32
    %c0_i32_1 = arith.constant 0 : i32
    return %c0_i32, %c0_i32_0 : i32, i32
  }
}

module attributes {stable_mosaic.version = 14 : i64} {
  func.func @_fused_body(%arg0: i32, %arg1: memref<1280x3xf32, #tpu.memory_space<vmem>>, %arg2: memref<4x1280xf32, #tpu.memory_space<vmem>>, %arg3: memref<65x1xi32, #tpu.memory_space<vmem>>, %arg4: memref<1280x128xf32, #tpu.memory_space<vmem>>, %arg5: memref<128x128xf32, #tpu.memory_space<vmem>>, %arg6: memref<3x128xf32, #tpu.memory_space<vmem>>, %arg7: memref<3x128xf32, #tpu.memory_space<vmem>>, %arg8: memref<3x1280xf32, #tpu.memory_space<vmem>>, %arg9: memref<64x128xf32, #tpu.memory_space<vmem>>) attributes {dimension_semantics = [#tpu.dimension_semantics<arbitrary>], iteration_bounds = array<i64: 250>, scalar_prefetch = 0 : i64, scratch_operands = 0 : i64, tpu.core_type = #tpu.core_type<tc>, window_params = [{transform_indices = @transform_0, window_bounds = array<i64: 1280, 3>}, {transform_indices = @transform_1, window_bounds = array<i64: 4, 1280>}, {pipeline_mode = #tpu.pipeline_mode<synchronous>, transform_indices = @transform_2, window_bounds = array<i64: 65, 1>}, {transform_indices = @transform_3, window_bounds = array<i64: 1280, 128>}, {pipeline_mode = #tpu.pipeline_mode<synchronous>, transform_indices = @transform_4, window_bounds = array<i64: 128, 128>}, {pipeline_mode = #tpu.pipeline_mode<synchronous>, transform_indices = @transform_5, window_bounds = array<i64: 3, 128>}, {pipeline_mode = #tpu.pipeline_mode<synchronous>, transform_indices = @transform_6, window_bounds = array<i64: 3, 128>}, {transform_indices = @transform_7, window_bounds = array<i64: 3, 1280>}, {pipeline_mode = #tpu.pipeline_mode<synchronous>, transform_indices = @transform_8, window_bounds = array<i64: 64, 128>}]} {
    %eq3A = arith.constant 0 : i32
    %eq3A_0 = arith.cmpi eq, %arg0, %eq3A : i32
    %convert_element_type3A = arith.extui %eq3A_0 : i1 to i32
    %cond3A = arith.constant 0 : i32
    %cond3A_1 = arith.cmpi ne, %convert_element_type3A, %cond3A : i32
    scf.if %cond3A_1 {
      %broadcast_in_dim3A = arith.constant 0.000000e+00 : f32
      %broadcast_in_dim3A_66 = vector.broadcast %broadcast_in_dim3A : f32 to vector<64x128xf32>
      %swap3A_67 = arith.constant 0 : index
      %swap3A_68 = arith.constant 0 : index
      %swap3A_69 = vector.load %arg9[%swap3A_67, %swap3A_68] : memref<64x128xf32, #tpu.memory_space<vmem>>, vector<64x128xf32>
      tpu.vector_store %arg9[%swap3A_67, %swap3A_68], %broadcast_in_dim3A_66 {strides = array<i32>} : memref<64x128xf32, #tpu.memory_space<vmem>>, vector<64x128xf32>,
    } else {
    }
    %get3A = arith.constant 0 : index
    %get3A_2 = arith.constant 0 : index
    %get3A_3 = vector.load %arg2[%get3A, %get3A_2] : memref<4x1280xf32, #tpu.memory_space<vmem>>, vector<4x1280xf32>
    %get3A_4 = arith.constant 0 : index
    %get3A_5 = arith.constant 0 : index
    %get3A_6 = vector.load %arg4[%get3A_4, %get3A_5] : memref<1280x128xf32, #tpu.memory_space<vmem>>, vector<1280x128xf32>
    %convert_element_type3A_7 = arith.truncf %get3A_6 : vector<1280x128xf32> to vector<1280x128xbf16>
    %get3A_8 = arith.constant 0 : index
    %get3A_9 = arith.constant 0 : index
    %get3A_10 = vector.load %arg5[%get3A_8, %get3A_9] : memref<128x128xf32, #tpu.memory_space<vmem>>, vector<128x128xf32>
    %convert_element_type3A_11 = arith.truncf %get3A_10 : vector<128x128xf32> to vector<128x128xbf16>
    %dot_general3A = arith.constant dense<0.000000e+00> : vector<1280x128xf32>
    %dot_general3A_12 = tpu.matmul %convert_element_type3A_7, %convert_element_type3A_11, %dot_general3A {dimension_numbers = #tpu.dot_dimension_numbers<[1], [0], [0], [1], [0, 0, 1, 1], [], []>, transpose_lhs_hint = false} : vector<1280x128xbf16>, vector<128x128xbf16>, vector<1280x128xf32> -> vector<1280x128xf32>
    %get3A_13 = arith.constant 0 : index
    %get3A_14 = arith.constant 0 : index
    %get3A_15 = vector.load %arg1[%get3A_13, %get3A_14] : memref<1280x3xf32, #tpu.memory_space<vmem>>, vector<1280x3xf32>
    %get3A_16 = arith.constant 0 : index
    %get3A_17 = arith.constant 0 : index
    %get3A_18 = vector.load %arg6[%get3A_16, %get3A_17] : memref<3x128xf32, #tpu.memory_space<vmem>>, vector<3x128xf32>
    %dot_general3A_19 = arith.constant dense<0.000000e+00> : vector<1280x128xf32>
    %dot_general3A_20 = tpu.matmul %get3A_15, %get3A_18, %dot_general3A_19 {dimension_numbers = #tpu.dot_dimension_numbers<[1], [0], [0], [1], [0, 0, 1, 1], [], []>, transpose_lhs_hint = false} : vector<1280x3xf32>, vector<3x128xf32>, vector<1280x128xf32> -> vector<1280x128xf32>
    %add3A = arith.addf %dot_general3A_12, %dot_general3A_20 : vector<1280x128xf32>
    %slice3A = vector.extract_strided_slice %get3A_3 {offsets = [0, 0], sizes = [3, 1280], strides = [1, 1]} : vector<4x1280xf32> to vector<3x1280xf32>
    %get3A_21 = arith.constant 0 : index
    %get3A_22 = arith.constant 0 : index
    %get3A_23 = vector.load %arg6[%get3A_21, %get3A_22] : memref<3x128xf32, #tpu.memory_space<vmem>>, vector<3x128xf32>
    %dot_general3A_24 = arith.constant dense<0.000000e+00> : vector<1280x128xf32>
    %dot_general3A_25 = tpu.matmul %slice3A, %get3A_23, %dot_general3A_24 {dimension_numbers = #tpu.dot_dimension_numbers<[0], [0], [1], [1], [0, 1, 1, 1], [], []>, transpose_lhs_hint = false} : vector<3x1280xf32>, vector<3x128xf32>, vector<1280x128xf32> -> vector<1280x128xf32>
    %add3A_26 = arith.addf %add3A, %dot_general3A_25 : vector<1280x128xf32>
    %logistic3A = arith.negf %add3A_26 : vector<1280x128xf32>
    %logistic3A_27 = math.exp %logistic3A : vector<1280x128xf32>
    %logistic3A_28 = arith.constant 1.000000e+00 : f32
    %logistic3A_29 = vector.broadcast %logistic3A_28 : f32 to vector<1280x128xf32>
    %logistic3A_30 = arith.addf %logistic3A_29, %logistic3A_27 : vector<1280x128xf32>
    %logistic3A_31 = arith.divf %logistic3A_29, %logistic3A_30 : vector<1280x128xf32>
    %mul3A = arith.mulf %add3A_26, %logistic3A_31 : vector<1280x128xf32>
    %get3A_32 = arith.constant 0 : index
    %get3A_33 = arith.constant 0 : index
    %get3A_34 = vector.load %arg7[%get3A_32, %get3A_33] : memref<3x128xf32, #tpu.memory_space<vmem>>, vector<3x128xf32>
    %dot_general3A_35 = arith.constant dense<0.000000e+00> : vector<3x1280xf32>
    %dot_general3A_36 = tpu.matmul %get3A_34, %mul3A, %dot_general3A_35 {dimension_numbers = #tpu.dot_dimension_numbers<[1], [1], [0], [0], [0, 0, 1, 0], [], []>, transpose_lhs_hint = false} : vector<3x128xf32>, vector<1280x128xf32>, vector<3x1280xf32> -> vector<3x1280xf32>
    %swap3A = arith.constant 0 : index
    %swap3A_37 = arith.constant 0 : index
    %swap3A_38 = vector.load %arg8[%swap3A, %swap3A_37] : memref<3x1280xf32, #tpu.memory_space<vmem>>, vector<3x1280xf32>
    tpu.vector_store %arg8[%swap3A, %swap3A_37], %dot_general3A_36 {strides = array<i32>} : memref<3x1280xf32, #tpu.memory_space<vmem>>, vector<3x1280xf32>,
    %mul3A_39 = arith.constant 1280 : i32
    %mul3A_40 = arith.muli %arg0, %mul3A_39 : i32
    %iota3A = tpu.iota {dimensions = array<i32: 1>} : vector<64x1280xi32>
    %add3A_41 = vector.broadcast %mul3A_40 : i32 to vector<64x1280xi32>
    %add3A_42 = arith.addi %add3A_41, %iota3A : vector<64x1280xi32>
    %get3A_43 = arith.constant 0 : index
    %get3A_44 = arith.constant 0 : index
    %get3A_45 = vector.load %arg3[%get3A_43, %get3A_44] : memref<65x1xi32, #tpu.memory_space<vmem>>, vector<65x1xi32>
    %slice3A_46 = vector.extract_strided_slice %get3A_45 {offsets = [0, 0], sizes = [64, 1], strides = [1, 1]} : vector<65x1xi32> to vector<64x1xi32>
    %ge3A = vector.broadcast %slice3A_46 : vector<64x1xi32> to vector<64x1280xi32>
    %ge3A_47 = arith.cmpi sge, %add3A_42, %ge3A : vector<64x1280xi32>
    %slice3A_48 = vector.extract_strided_slice %get3A_45 {offsets = [1, 0], sizes = [64, 1], strides = [1, 1]} : vector<65x1xi32> to vector<64x1xi32>
    %lt3A = vector.broadcast %slice3A_48 : vector<64x1xi32> to vector<64x1280xi32>
    %lt3A_49 = arith.cmpi slt, %add3A_42, %lt3A : vector<64x1280xi32>
    %and3A = arith.andi %ge3A_47, %lt3A_49 : vector<64x1280xi1>
    %convert_element_type3A_50 = arith.extui %and3A : vector<64x1280xi1> to vector<64x1280xi32>
    %convert_element_type3A_51 = arith.sitofp %convert_element_type3A_50 : vector<64x1280xi32> to vector<64x1280xf32>
    %slice3A_52 = vector.extract_strided_slice %get3A_3 {offsets = [3, 0], sizes = [1, 1280], strides = [1, 1]} : vector<4x1280xf32> to vector<1x1280xf32>
    %mul3A_53 = vector.broadcast %slice3A_52 : vector<1x1280xf32> to vector<64x1280xf32>
    %mul3A_54 = arith.mulf %convert_element_type3A_51, %mul3A_53 : vector<64x1280xf32>
    %get3A_55 = arith.constant 0 : index
    %get3A_56 = arith.constant 0 : index
    %get3A_57 = vector.load %arg9[%get3A_55, %get3A_56] : memref<64x128xf32, #tpu.memory_space<vmem>>, vector<64x128xf32>
    %convert_element_type3A_58 = arith.truncf %mul3A_54 : vector<64x1280xf32> to vector<64x1280xbf16>
    %convert_element_type3A_59 = arith.truncf %mul3A : vector<1280x128xf32> to vector<1280x128xbf16>
    %dot_general3A_60 = arith.constant dense<0.000000e+00> : vector<64x128xf32>
    %dot_general3A_61 = tpu.matmul %convert_element_type3A_58, %convert_element_type3A_59, %dot_general3A_60 {dimension_numbers = #tpu.dot_dimension_numbers<[1], [0], [0], [1], [0, 0, 1, 1], [], []>, transpose_lhs_hint = false} : vector<64x1280xbf16>, vector<1280x128xbf16>, vector<64x128xf32> -> vector<64x128xf32>
    %add3A_62 = arith.addf %get3A_57, %dot_general3A_61 : vector<64x128xf32>
    %swap3A_63 = arith.constant 0 : index
    %swap3A_64 = arith.constant 0 : index
    %swap3A_65 = vector.load %arg9[%swap3A_63, %swap3A_64] : memref<64x128xf32, #tpu.memory_space<vmem>>, vector<64x128xf32>
    tpu.vector_store %arg9[%swap3A_63, %swap3A_64], %add3A_62 {strides = array<i32>} : memref<64x128xf32, #tpu.memory_space<vmem>>, vector<64x128xf32>,
    return
  }
  func.func @transform_0(%arg0: i32) -> (i32, i32) {
    %c0_i32 = arith.constant 0 : i32
    %c0_i32_0 = arith.constant 0 : i32
    return %arg0, %c0_i32 : i32, i32
  }
  func.func @transform_1(%arg0: i32) -> (i32, i32) {
    %c0_i32 = arith.constant 0 : i32
    %c0_i32_0 = arith.constant 0 : i32
    return %c0_i32, %arg0 : i32, i32
  }
  func.func @transform_2(%arg0: i32) -> (i32, i32) {
    %c0_i32 = arith.constant 0 : i32
    %c0_i32_0 = arith.constant 0 : i32
    %c0_i32_1 = arith.constant 0 : i32
    return %c0_i32, %c0_i32_0 : i32, i32
  }
  func.func @transform_3(%arg0: i32) -> (i32, i32) {
    %c0_i32 = arith.constant 0 : i32
    %c0_i32_0 = arith.constant 0 : i32
    return %arg0, %c0_i32 : i32, i32
  }
  func.func @transform_4(%arg0: i32) -> (i32, i32) {
    %c0_i32 = arith.constant 0 : i32
    %c0_i32_0 = arith.constant 0 : i32
    %c0_i32_1 = arith.constant 0 : i32
    return %c0_i32, %c0_i32_0 : i32, i32
  }
  func.func @transform_5(%arg0: i32) -> (i32, i32) {
    %c0_i32 = arith.constant 0 : i32
    %c0_i32_0 = arith.constant 0 : i32
    %c0_i32_1 = arith.constant 0 : i32
    return %c0_i32, %c0_i32_0 : i32, i32
  }
  func.func @transform_6(%arg0: i32) -> (i32, i32) {
    %c0_i32 = arith.constant 0 : i32
    %c0_i32_0 = arith.constant 0 : i32
    %c0_i32_1 = arith.constant 0 : i32
    return %c0_i32, %c0_i32_0 : i32, i32
  }
  func.func @transform_7(%arg0: i32) -> (i32, i32) {
    %c0_i32 = arith.constant 0 : i32
    %c0_i32_0 = arith.constant 0 : i32
    return %c0_i32, %arg0 : i32, i32
  }
  func.func @transform_8(%arg0: i32) -> (i32, i32) {
    %c0_i32 = arith.constant 0 : i32
    %c0_i32_0 = arith.constant 0 : i32
    %c0_i32_1 = arith.constant 0 : i32
    return %c0_i32, %c0_i32_0 : i32, i32
  }
}

module attributes {stable_mosaic.version = 14 : i64} {
  func.func @_finalize_body(%arg0: i32, %arg1: memref<4x3200xf32, #tpu.memory_space<vmem>>, %arg2: memref<4x3200xf32, #tpu.memory_space<vmem>>, %arg3: memref<3x3200xf32, #tpu.memory_space<vmem>>, %arg4: memref<64x128xf32, #tpu.memory_space<vmem>>, %arg5: memref<128x128xf32, #tpu.memory_space<vmem>>, %arg6: memref<1x128xf32, #tpu.memory_space<vmem>>, %arg7: memref<128x1xf32, #tpu.memory_space<vmem>>, %arg8: memref<1x1xf32, #tpu.memory_space<vmem>>, %arg9: memref<64x1xf32, #tpu.memory_space<vmem>>, %arg10: memref<1x1xf32, #tpu.memory_space<vmem>>) attributes {dimension_semantics = [#tpu.dimension_semantics<arbitrary>], iteration_bounds = array<i64: 10>, scalar_prefetch = 0 : i64, scratch_operands = 0 : i64, tpu.core_type = #tpu.core_type<tc>, window_params = [{transform_indices = @transform_0, window_bounds = array<i64: 4, 3200>}, {transform_indices = @transform_1, window_bounds = array<i64: 4, 3200>}, {transform_indices = @transform_2, window_bounds = array<i64: 3, 3200>}, {pipeline_mode = #tpu.pipeline_mode<synchronous>, transform_indices = @transform_3, window_bounds = array<i64: 64, 128>}, {pipeline_mode = #tpu.pipeline_mode<synchronous>, transform_indices = @transform_4, window_bounds = array<i64: 128, 128>}, {pipeline_mode = #tpu.pipeline_mode<synchronous>, transform_indices = @transform_5, window_bounds = array<i64: 1, 128>}, {pipeline_mode = #tpu.pipeline_mode<synchronous>, transform_indices = @transform_6, window_bounds = array<i64: 128, 1>}, {pipeline_mode = #tpu.pipeline_mode<synchronous>, transform_indices = @transform_7, window_bounds = array<i64: 1, 1>}, {pipeline_mode = #tpu.pipeline_mode<synchronous>, transform_indices = @transform_8, window_bounds = array<i64: 64, 1>}, {pipeline_mode = #tpu.pipeline_mode<synchronous>, transform_indices = @transform_9, window_bounds = array<i64: 1, 1>}]} {
    %eq3A = arith.constant 0 : i32
    %eq3A_0 = arith.cmpi eq, %arg0, %eq3A : i32
    %convert_element_type3A = arith.extui %eq3A_0 : i1 to i32
    %cond3A = arith.constant 0 : i32
    %cond3A_1 = arith.cmpi ne, %convert_element_type3A, %cond3A : i32
    scf.if %cond3A_1 {
      %broadcast_in_dim3A = arith.constant 0.000000e+00 : f32
      %broadcast_in_dim3A_38 = vector.broadcast %broadcast_in_dim3A : f32 to vector<1x1xf32>
      %swap3A_39 = arith.constant 0 : index
      %swap3A_40 = arith.constant 0 : index
      %swap3A_41 = vector.load %arg10[%swap3A_39, %swap3A_40] : memref<1x1xf32, #tpu.memory_space<vmem>>, vector<1x1xf32>
      tpu.vector_store %arg10[%swap3A_39, %swap3A_40], %broadcast_in_dim3A_38 {strides = array<i32>} : memref<1x1xf32, #tpu.memory_space<vmem>>, vector<1x1xf32>,
    } else {
    }
    %get3A = arith.constant 0 : index
    %get3A_2 = arith.constant 0 : index
    %get3A_3 = vector.load %arg1[%get3A, %get3A_2] : memref<4x3200xf32, #tpu.memory_space<vmem>>, vector<4x3200xf32>
    %get3A_4 = arith.constant 0 : index
    %get3A_5 = arith.constant 0 : index
    %get3A_6 = vector.load %arg2[%get3A_4, %get3A_5] : memref<4x3200xf32, #tpu.memory_space<vmem>>, vector<4x3200xf32>
    %add3A = arith.addf %get3A_3, %get3A_6 : vector<4x3200xf32>
    %slice3A = vector.extract_strided_slice %add3A {offsets = [3, 0], sizes = [1, 3200], strides = [1, 1]} : vector<4x3200xf32> to vector<1x3200xf32>
    %gt3A = arith.constant 0.000000e+00 : f32
    %gt3A_7 = vector.broadcast %gt3A : f32 to vector<1x3200xf32>
    %gt3A_8 = arith.cmpf ogt, %slice3A, %gt3A_7 : vector<1x3200xf32>
    %convert_element_type3A_9 = arith.extui %gt3A_8 : vector<1x3200xi1> to vector<1x3200xi32>
    %convert_element_type3A_10 = arith.sitofp %convert_element_type3A_9 : vector<1x3200xi32> to vector<1x3200xf32>
    %slice3A_11 = vector.extract_strided_slice %add3A {offsets = [0, 0], sizes = [3, 3200], strides = [1, 1]} : vector<4x3200xf32> to vector<3x3200xf32>
    %max3A = arith.constant 1.000000e+00 : f32
    %max3A_12 = vector.broadcast %max3A : f32 to vector<1x3200xf32>
    %max3A_13 = arith.maximumf %slice3A, %max3A_12 : vector<1x3200xf32>
    %div3A = vector.broadcast %max3A_13 : vector<1x3200xf32> to vector<3x3200xf32>
    %div3A_14 = arith.divf %slice3A_11, %div3A : vector<3x3200xf32>
    %get3A_15 = arith.constant 0 : index
    %get3A_16 = arith.constant 0 : index
    %get3A_17 = vector.load %arg3[%get3A_15, %get3A_16] : memref<3x3200xf32, #tpu.memory_space<vmem>>, vector<3x3200xf32>
    %mul3A = vector.broadcast %convert_element_type3A_10 : vector<1x3200xf32> to vector<3x3200xf32>
    %mul3A_18 = arith.mulf %get3A_17, %mul3A : vector<3x3200xf32>
    %add3A_19 = arith.addf %div3A_14, %mul3A_18 : vector<3x3200xf32>
    %get3A_20 = arith.constant 0 : index
    %get3A_21 = arith.constant 0 : index
    %get3A_22 = vector.load %arg10[%get3A_20, %get3A_21] : memref<1x1xf32, #tpu.memory_space<vmem>>, vector<1x1xf32>
    %mul3A_23 = arith.mulf %add3A_19, %add3A_19 : vector<3x3200xf32>
    %reduce_sum3A = vector.shape_cast %mul3A_23 : vector<3x3200xf32> to vector<1x3x3200xf32>
    %reduce_sum3A_24 = arith.constant dense<0.000000e+00> : vector<1xf32>
    %reduce_sum3A_25 = vector.multi_reduction <add>, %reduce_sum3A, %reduce_sum3A_24 [1, 2] : vector<1x3x3200xf32> to vector<1xf32>
    %reduce_sum3A_26 = vector.shape_cast %reduce_sum3A_25 : vector<1xf32> to vector<1x1x1xf32>
    %reduce_sum3A_27 = vector.extract %reduce_sum3A_26[0, 0, 0] : f32 from vector<1x1x1xf32>
    %div3A_28 = arith.constant 9.600000e+04 : f32
    %div3A_29 = arith.divf %reduce_sum3A_27, %div3A_28 : f32
    %reshape3A = vector.broadcast %div3A_29 : f32 to vector<1x1xf32>
    %add3A_30 = arith.addf %get3A_22, %reshape3A : vector<1x1xf32>
    %swap3A = arith.constant 0 : index
    %swap3A_31 = arith.constant 0 : index
    %swap3A_32 = vector.load %arg10[%swap3A, %swap3A_31] : memref<1x1xf32, #tpu.memory_space<vmem>>, vector<1x1xf32>
    tpu.vector_store %arg10[%swap3A, %swap3A_31], %add3A_30 {strides = array<i32>} : memref<1x1xf32, #tpu.memory_space<vmem>>, vector<1x1xf32>,
    %eq3A_33 = arith.constant 9 : i32
    %eq3A_34 = arith.cmpi eq, %arg0, %eq3A_33 : i32
    %convert_element_type3A_35 = arith.extui %eq3A_34 : i1 to i32
    %cond3A_36 = arith.constant 0 : i32
    %cond3A_37 = arith.cmpi ne, %convert_element_type3A_35, %cond3A_36 : i32
    scf.if %cond3A_37 {
      %get3A_38 = arith.constant 0 : index
      %get3A_39 = arith.constant 0 : index
      %get3A_40 = vector.load %arg4[%get3A_38, %get3A_39] : memref<64x128xf32, #tpu.memory_space<vmem>>, vector<64x128xf32>
      %get3A_41 = arith.constant 0 : index
      %get3A_42 = arith.constant 0 : index
      %get3A_43 = vector.load %arg5[%get3A_41, %get3A_42] : memref<128x128xf32, #tpu.memory_space<vmem>>, vector<128x128xf32>
      %dot_general3A = arith.constant dense<0.000000e+00> : vector<64x128xf32>
      %dot_general3A_44 = tpu.matmul %get3A_40, %get3A_43, %dot_general3A {dimension_numbers = #tpu.dot_dimension_numbers<[1], [0], [0], [1], [0, 0, 1, 1], [], []>, transpose_lhs_hint = false} : vector<64x128xf32>, vector<128x128xf32>, vector<64x128xf32> -> vector<64x128xf32>
      %get3A_45 = arith.constant 0 : index
      %get3A_46 = arith.constant 0 : index
      %get3A_47 = vector.load %arg6[%get3A_45, %get3A_46] : memref<1x128xf32, #tpu.memory_space<vmem>>, vector<1x128xf32>
      %add3A_48 = vector.broadcast %get3A_47 : vector<1x128xf32> to vector<64x128xf32>
      %add3A_49 = arith.addf %dot_general3A_44, %add3A_48 : vector<64x128xf32>
      %logistic3A = arith.negf %add3A_49 : vector<64x128xf32>
      %logistic3A_50 = math.exp %logistic3A : vector<64x128xf32>
      %logistic3A_51 = arith.constant 1.000000e+00 : f32
      %logistic3A_52 = vector.broadcast %logistic3A_51 : f32 to vector<64x128xf32>
      %logistic3A_53 = arith.addf %logistic3A_52, %logistic3A_50 : vector<64x128xf32>
      %logistic3A_54 = arith.divf %logistic3A_52, %logistic3A_53 : vector<64x128xf32>
      %mul3A_55 = arith.mulf %add3A_49, %logistic3A_54 : vector<64x128xf32>
      %get3A_56 = arith.constant 0 : index
      %get3A_57 = arith.constant 0 : index
      %get3A_58 = vector.load %arg7[%get3A_56, %get3A_57] : memref<128x1xf32, #tpu.memory_space<vmem>>, vector<128x1xf32>
      %dot_general3A_59 = arith.constant dense<0.000000e+00> : vector<64x1xf32>
      %dot_general3A_60 = tpu.matmul %mul3A_55, %get3A_58, %dot_general3A_59 {dimension_numbers = #tpu.dot_dimension_numbers<[1], [0], [0], [1], [0, 0, 1, 1], [], []>, transpose_lhs_hint = false} : vector<64x128xf32>, vector<128x1xf32>, vector<64x1xf32> -> vector<64x1xf32>
      %get3A_61 = arith.constant 0 : index
      %get3A_62 = arith.constant 0 : index
      %get3A_63 = vector.load %arg8[%get3A_61, %get3A_62] : memref<1x1xf32, #tpu.memory_space<vmem>>, vector<1x1xf32>
      %add3A_64 = vector.broadcast %get3A_63 : vector<1x1xf32> to vector<64x1xf32>
      %add3A_65 = arith.addf %dot_general3A_60, %add3A_64 : vector<64x1xf32>
      %swap3A_66 = arith.constant 0 : index
      %swap3A_67 = arith.constant 0 : index
      %swap3A_68 = vector.load %arg9[%swap3A_66, %swap3A_67] : memref<64x1xf32, #tpu.memory_space<vmem>>, vector<64x1xf32>
      tpu.vector_store %arg9[%swap3A_66, %swap3A_67], %add3A_65 {strides = array<i32>} : memref<64x1xf32, #tpu.memory_space<vmem>>, vector<64x1xf32>,
    } else {
    }
    return
  }
  func.func @transform_0(%arg0: i32) -> (i32, i32) {
    %c0_i32 = arith.constant 0 : i32
    %c0_i32_0 = arith.constant 0 : i32
    return %c0_i32, %arg0 : i32, i32
  }
  func.func @transform_1(%arg0: i32) -> (i32, i32) {
    %c0_i32 = arith.constant 0 : i32
    %c0_i32_0 = arith.constant 0 : i32
    return %c0_i32, %arg0 : i32, i32
  }
  func.func @transform_2(%arg0: i32) -> (i32, i32) {
    %c0_i32 = arith.constant 0 : i32
    %c0_i32_0 = arith.constant 0 : i32
    return %c0_i32, %arg0 : i32, i32
  }
  func.func @transform_3(%arg0: i32) -> (i32, i32) {
    %c0_i32 = arith.constant 0 : i32
    %c0_i32_0 = arith.constant 0 : i32
    %c0_i32_1 = arith.constant 0 : i32
    return %c0_i32, %c0_i32_0 : i32, i32
  }
  func.func @transform_4(%arg0: i32) -> (i32, i32) {
    %c0_i32 = arith.constant 0 : i32
    %c0_i32_0 = arith.constant 0 : i32
    %c0_i32_1 = arith.constant 0 : i32
    return %c0_i32, %c0_i32_0 : i32, i32
  }
  func.func @transform_5(%arg0: i32) -> (i32, i32) {
    %c0_i32 = arith.constant 0 : i32
    %c0_i32_0 = arith.constant 0 : i32
    %c0_i32_1 = arith.constant 0 : i32
    return %c0_i32, %c0_i32_0 : i32, i32
  }
  func.func @transform_6(%arg0: i32) -> (i32, i32) {
    %c0_i32 = arith.constant 0 : i32
    %c0_i32_0 = arith.constant 0 : i32
    %c0_i32_1 = arith.constant 0 : i32
    return %c0_i32, %c0_i32_0 : i32, i32
  }
  func.func @transform_7(%arg0: i32) -> (i32, i32) {
    %c0_i32 = arith.constant 0 : i32
    %c0_i32_0 = arith.constant 0 : i32
    %c0_i32_1 = arith.constant 0 : i32
    return %c0_i32, %c0_i32_0 : i32, i32
  }
  func.func @transform_8(%arg0: i32) -> (i32, i32) {
    %c0_i32 = arith.constant 0 : i32
    %c0_i32_0 = arith.constant 0 : i32
    %c0_i32_1 = arith.constant 0 : i32
    return %c0_i32, %c0_i32_0 : i32, i32
  }
  func.func @transform_9(%arg0: i32) -> (i32, i32) {
    %c0_i32 = arith.constant 0 : i32
    %c0_i32_0 = arith.constant 0 : i32
    %c0_i32_1 = arith.constant 0 : i32
    return %c0_i32, %c0_i32_0 : i32, i32
  }
}

</mosaic_0001>

<sc_bundles>
// kernel: kernel.11.cloned.1.call-start
scs
__scs_entry_jumppad:
0x0: {  	(pc) =	sbr.rel $0x88, $3  }
0x1: {  	(tag) =	ssettag $0x0;
	lr =	simm.s32 $0x1  }
0x2: {  	[smem:$0x3F93] =	sst lr;
	_ =	strace $0xD0000000  }
0x3: {  	_ = 	snop  }
0x4: {  	_ = 	snop  }
0x5: {  	_ = 	snop  }
0x6: {  	_ = 	snop  }
0x7: {  	_ = 	snop  }
__scs_overlays_trampoline_lowered:
0x8: {  	[smem:$0x3FA2] =	sst s0  }
0x9: {  	[smem:$0x3FA3] =	sst s1  }
0xa: {  	[smem:$0x3FA4] =	sst s2  }
0xb: {  	[smem:$0x3FA5] =	sst s3  }
0xc: {  	[smem:$0x3FA6] =	sst s4  }
0xd: {  	[smem:$0x3FA7] =	sst s5  }
0xe: {  	[smem:$0x3FA8] =	sst s6  }
0xf: {  	[smem:$0x3FA9] =	sst s7  }
0x10: {  	[smem:$0x3FAA] =	sst s8  }
0x11: {  	[smem:$0x3FAB] =	sst s9;
	s0 =	simm.s32 @!p0 $0x0  }
0x12: {  	s1 =	sld [smem:$0x3F91];
	s0 =	simm.s32 @p0 $0x1  }
0x13: {  	[smem:$0x3FAC] =	sst s0;
	s0 =	simm.s32 @!p1 $0x0  }
0x14: {  	s2 =	sld [smem:$0x3F90];
	s0 =	simm.s32 @p1 $0x1  }
0x15: {  	[smem:$0x3FAD] =	sst s0;
	s0 =	simm.s32 @!p2 $0x0  }
0x16: {  	s3 =	sld [smem:$0x3FDB];
	s0 =	simm.s32 @p2 $0x1  }
0x17: {  	s4 =	simm.s32 $0x1BF5;
	[smem:$0x3FAF] =	sst s0  }
0x18: {  	s0 =	sld [smem:$0x3F92];
	_ =	swait.ge [sflag:s4], $0x0  }
0x19: {  	s7 =	sld [smem:$0x3F93]  }
0x1a: {  	s8 =	sadd.s32 $0xFFFFE003, lr  }
0x1b: {  	s9 =	sadd.s32 $0xFFFFFEF7, lr;
	s5 =	simm.s32 $0xFFFFFFFF;
	p2 =	slt.u32 s8, $0xFFFFF086  }
0x1c: {  	p1 =	slt.u32 s9, $0xF7A;
	s5 =	simm.s32 @!p2 $0x0  }
0x1d: {  	s5 =	simm.s32 @p1 $0x1;
	p0 =	seq.s32 s7, s2  }
0x1e: {  	s7 =	smul.u32 @!p0 $0xF7A, s2;
	p2 =	seq.s32 @!p0 s5, $0x0  }
0x1f: {  	s9 =	smul.u32 $0xF7A, s1;
	s8 =	simm.s32 @!p0 $0x1BF5;
	p2 =	por !p2, p0  }
0x20: {  	[sflag:s8] =	ssyncset.s32 @!p0 $0xFFFFF086;
	s6 =	sadd.s32 @!p0 s3, s7;
	s7 =	simm.s32 @!p0 $0x108  }
0x21: {  	s3 =	sadd.s32 s3, s9;
	s6 =	sadd.s32 @!p0 $0x88, s6;
	s7 =	simm.s32 @p2 $0x1082  }
0x22: {  	[simem:s7], [sflag:s8] =	dma.local @!p0 [hbm:s6], $0xF7A  }
0x23: {  	s9 =	sor.u32 $0xD0000000, s2;
	s6 =	simm.s32 $0x108;
	_ =	swait.ge @!p0 [sflag:s8], $0x0  }
0x24: {  	s3 =	sadd.s32 $0x88, s3;
	s6 =	simm.s32 @!p1 $0x1082;
	[sflag:s4] =	ssyncset.s32 $0xFFFFF086  }
0x25: {  	[simem:s6], [sflag:s4] =	dma.local [hbm:s3], $0xF7A  }
0x26: {  	[smem:$0x3F93] =	sst s1;
	(tag) =	ssettag s2;
	_ =	strace s9  }
0x27: {  	s1 =	sld [smem:$0x3FA3]  }
0x28: {  	s2 =	sld [smem:$0x3FA4]  }
0x29: {  	s4 =	sld [smem:$0x3FA6]  }
0x2a: {  	p0 =	seq.s32 s5, $0x0;
	s5 =	sld [smem:$0x3FA7]  }
0x2b: {  	s6 =	sld [smem:$0x3FA8]  }
0x2c: {  	s7 =	sld [smem:$0x3FA9]  }
0x2d: {  	s3 =	simm.s32 $0x108;
	s8 =	sld [smem:$0x3FAA]  }
0x2e: {  	s3 =	simm.s32 @!p0 $0x1082;
	s9 =	sld [smem:$0x3FAB]  }
0x2f: {  	lr =	sadd.s32 s0, s3;
	s0 =	sld [smem:$0x3FA2]  }
0x30: {  	s3 =	sld [smem:$0x3FA5]  }
0x31: {  	[smem:$0x3FAE] =	sst s10  }
0x32: {  	s10 =	sld [smem:$0x3FAC];
	_ =	sdelay $0x3  }
0x33: {  	p0 =	seq.s32 s10, $0x1;
	s10 =	sld [smem:$0x3FAE];
	_ =	sdelay $0x3  }
0x34: {  	[smem:$0x3FAE] =	sst s10  }
0x35: {  	s10 =	sld [smem:$0x3FAD];
	_ =	sdelay $0x3  }
0x36: {  	p1 =	seq.s32 s10, $0x1;
	s10 =	sld [smem:$0x3FAE];
	_ =	sdelay $0x3  }
0x37: {  	[smem:$0x3FAE] =	sst s10  }
0x38: {  	s10 =	sld [smem:$0x3FAF]  }
0x39: {  	_ = 	snop;
	(pc) =	sbr.ind lr, $3  }
0x3a: {  	_ = 	snop  }
0x3b: {  	_ = 	snop  }
0x3c: {  	p2 =	seq.s32 s10, $0x1;
	s10 =	sld [smem:$0x3FAE]  }
0x3d: {  	_ =	shalt  }
0x3e: {  	_ =	shalt  }
0x3f: {  	_ =	shalt  }
0x40: {  	_ =	shalt  }
0x41: {  	_ =	shalt  }
0x42: {  	_ =	shalt  }
0x43: {  	_ =	shalt  }
0x44: {  	_ =	shalt  }
0x45: {  	_ =	shalt  }
0x46: {  	_ =	shalt  }
0x47: {  	_ =	shalt  }
0x48: {  	_ =	shalt  }
0x49: {  	_ =	shalt  }
0x4a: {  	_ =	shalt  }
0x4b: {  	_ =	shalt  }
0x4c: {  	_ =	shalt  }
0x4d: {  	_ =	shalt  }
0x4e: {  	_ =	shalt  }
0x4f: {  	_ =	shalt  }
0x50: {  	_ =	shalt  }
0x51: {  	_ =	shalt  }
0x52: {  	_ =	shalt  }
0x53: {  	_ =	shalt  }
0x54: {  	_ =	shalt  }
0x55: {  	_ =	shalt  }
0x56: {  	_ =	shalt  }
0x57: {  	_ =	shalt  }
0x58: {  	_ =	shalt  }
0x59: {  	_ =	shalt  }
0x5a: {  	_ =	shalt  }
0x5b: {  	_ =	shalt  }
0x5c: {  	_ =	shalt  }
0x5d: {  	_ =	shalt  }
0x5e: {  	_ =	shalt  }
0x5f: {  	_ =	shalt  }
0x60: {  	_ =	shalt  }
0x61: {  	_ =	shalt  }
0x62: {  	_ =	shalt  }
0x63: {  	_ =	shalt  }
0x64: {  	_ =	shalt  }
0x65: {  	_ =	shalt  }
0x66: {  	_ =	shalt  }
0x67: {  	_ =	shalt  }
0x68: {  	_ =	shalt  }
0x69: {  	_ =	shalt  }
0x6a: {  	_ =	shalt  }
0x6b: {  	_ =	shalt  }
0x6c: {  	_ =	shalt  }
0x6d: {  	_ =	shalt  }
0x6e: {  	_ =	shalt  }
0x6f: {  	_ =	shalt  }
0x70: {  	_ =	shalt  }
0x71: {  	_ =	shalt  }
0x72: {  	_ =	shalt  }
0x73: {  	_ =	shalt  }
0x74: {  	_ =	shalt  }
0x75: {  	_ =	shalt  }
0x76: {  	_ =	shalt  }
0x77: {  	_ =	shalt  }
0x78: {  	_ =	shalt  }
0x79: {  	_ =	shalt  }
0x7a: {  	_ =	shalt  }
0x7b: {  	_ =	shalt  }
0x7c: {  	_ =	shalt  }
0x7d: {  	_ =	shalt  }
0x7e: {  	_ =	shalt  }
0x7f: {  	_ =	shalt  }
0x80: {  	_ =	shalt  }
0x81: {  	_ =	shalt  }
0x82: {  	_ =	shalt  }
0x83: {  	_ =	shalt  }
0x84: {  	_ =	shalt  }
0x85: {  	_ =	shalt  }
0x86: {  	_ =	shalt  }
0x87: {  	_ =	shalt  }
.Lfunc_end0:
.L_simem_size_0:
called_computation.1_lowered:
.L_overlay_start_0:
0x88: {  	s2 =	sld [smem:$0x3FD9]  }
0x89: {  	s3 =	sld [smem:$0x3FFE];
	_ =	sdelay $0x1  }
0x8a: {  	s1 =	srdreg.scid  }
0x8b: {  	s0 =	sand.u32 $0x1, s1  }
0x8c: {  	s17 =	sshll.u32 s0, $0xA;
	s2 =	sadd.s32 s3, s2  }
0x8d: {  	s2 =	sadd.s32 s2, s17  }
0x8e: {  	[smem:$0x3FBA] =	sst s2  }
0x8f: {  	_ = 	snop  }
0x90: {  	s2 =	sld [smem:$0x3FBE];
	(tm) =	ssettm $0x1  }
0x91: {  	s18 =	sld [smem:$0x3FFB];
	_ =	sdelay $0x3  }
0x92: {  	_ =	strace s18  }
0x93: {  	s3 =	sld [smem:$0x3FFC];
	_ =	sdelay $0x3  }
0x94: {  	_ =	strace s3  }
0x95: {  	s3 =	sld [smem:$0x3FFD];
	_ =	sdelay $0x3  }
0x96: {  	_ =	strace s3  }
0x97: {  	_ =	strace $0x8FFFFFFF  }
0x98: {  	s19 =	sld [smem:$0x3FDB];
	_ =	sdelay $0x1  }
0x99: {  	s4 =	simm.s32 $_scs_section_size  }
0x9a: {  	s5 =	simm.s32 $_size__tile_overlayer_lowered;
	s6 =	simm.s32 $_tile_overlayer_lowered  }
0x9b: {  	s22 =	simm.s32 $0x1BFF;
	s21 =	sshll.u32 s6, $0x1;
	s3 =	sadd.s32 s4, s19  }
0x9c: {  	s7 =	simm.s32 $0x0;
	s20 =	sshll.u32 s5, $0x1;
	s5 =	sadd.s32 s21, s3  }
0x9d: {  	[timem:s7], [sflag:s22] =	dma.local [hbm:s5], s20  }
0x9e: {  	_ =	swait.ge [sflag:s22], s20  }
0x9f: {  	s4 =	ssub.s32 $0x0, s20;
	[sflag:s22] =	ssyncset.done $0x0  }
0xa0: {  	[sflag:s22] =	ssyncadd.s32 s4;
	_ =	sdelay $0x1  }
0xa1: {  	s23 =	simm.s32 $0x1B8B  }
0xa2: {  	_ =	swait.ge [sflag:s23], $0x1  }
0xa3: {  	[sflag:s23] =	ssyncset.done $0x0  }
0xa4: {  	s25 =	simm.s32 $0x1B8E;
	s24 =	sld [smem:$0x3FFE];
	[sflag:s23] =	ssyncadd.s32 $0xFFFFFFFF  }
0xa5: {  	s26 =	simm.s32 $execute0_lowered;
	[smem:$0x3FD2] =	sst s25  }
0xa6: {  	s5 =	sshll.u32 s26, $0x1;
	_ =	strace $0x80000049;
	[dreg:$0x1] =	wrdreg $0xFFFFFFFF  }
0xa7: {  	s28 =	simm.s32 $_size_execute0_lowered;
	s3 =	sadd.s32 s3, s5;
	[dreg:$0x0] =	wrdreg $0x0  }
0xa8: {  	s5 =	sshll.u32 s28, $0x1;
	[dreg:$0x2] =	wrdreg s3  }
0xa9: {  	[dreg:$0x3] =	wrdreg s5  }
0xaa: {  	[dreg:$0x4] =	wrdreg $0xC0  }
0xab: {  	_ =	task [dreg:s7], $0x5FFFF  }
0xac: {  	[dreg:$0x1] =	wrdreg $0xFFFFFFFF  }
0xad: {  	[dreg:$0x0] =	wrdreg $0x60  }
0xae: {  	[dreg:$0x2] =	wrdreg s24  }
0xaf: {  	[dreg:$0x3] =	wrdreg s2  }
0xb0: {  	[dreg:$0x4] =	wrdreg $0x9  }
0xb1: {  	_ =	task.clear_ibuf [dreg:s7], $0x5FFFF;
	_ =	strace $0x90000049  }
0xb2: {  	s29 =	simm.s32 $0x9;
	_ =	strace $0x8000004B  }
0xb3: {  	_ =	swait.ge [sflag:s29], $0x1  }
0xb4: {  	[sflag:s29] =	ssyncadd.s32 $0xFFFFFFFF  }
0xb5: {  	_ =	strace $0x9000004B  }
0xb6: {  	_ =	sfence  }
0xb7: {  	s30 =	sld [smem:$0x0];
	_ =	sdelay $0x2  }
0xb8: {  	s31 =	sshll.u32 s1, $0xD;
	s1 =	sshrl.u32 s1, $0x2  }
0xb9: {  	s3 =	sand.u32 $0x4000, s31;
	s1 =	sadd.s32 s1, s30  }
0xba: {  	s0 =	sor.u32 s3, s0;
	s1 =	sshll.u32 s1, $0x11  }
0xbb: {  	s0 =	sor.u32 s1, s0  }
0xbc: {  	s0 =	sadd.s32 $0x8F2B, s0  }
0xbd: {  	[sflag:s0] =	ssyncadd.remote.s32 $0x1  }
0xbe: {  	_ =	sfence.sel $0xFFFF  }
0xbf: {  	[dreg:$0x0] =	wrdreg $0xFFFFFFFF;
	(pc) =	sbr.abs _section_cstart, $3  }
0xc0: {  	[dreg:$0x1] =	wrdreg $0xFFFFFFFF  }
0xc1: {  	_ =	task.clear_ibuf [dreg:s7], $0x2FFFF;
	_ =	strace $0x9FFFFFFF  }
0xc2: {  	(tm) =	ssettm $0x7FFFFFFF  }
0xc3: {  	_ =	shalt  }
tec
execute0_lowered:
.L_overlay_start_1:
0x0: {  	(tag) =	ssettag $0x1  }
0x1: {  	s6 =	rddreg [dreg:$0x0]  }
0x2: {  	s9 =	rddreg [dreg:$0x1]  }
0x3: {  	s0 =	rddreg [dreg:$0x2];
	s3 =	srdreg.scid  }
0x4: {  	s2 =	simm.s32 $0x0;
	s1 =	stileid.u32;
	s15 =	simm.s32 $0x1  }
0x5: {  	s16 =	simm.s32 $0x0;
	s3 =	sand.u32 $0x1, s3;
	[smem:$0x7FF] =	sst s2  }
0x6: {  	s7 =	smul.u32 $0x4E20, s1;
	s12 =	sadd.s32 $0x6C00, s6;
	s4 =	ssub.s32 $0x2, s3  }
0x7: {  	_ =	strace $0x8000004A;
	s8 =	smul.u32 $0x2710, s3;
	s5 =	sshrl.u32 s4, $0x1  }
0x8: {  	s3 =	sadd.s32 $0x2C00, s6;
	s10 =	ssub.s32 s4, s5;
	s4 =	sadd.s32 $0x3BA0, s6  }
0x9: {  	s5 =	sadd.s32 $0x4B40, s6;
	s11 =	sadd.s32 s8, s7;
	s6 =	sadd.s32 $0x5AE0, s6  }
0xa: {  	s7 =	smax.u32 s10, $0x1;
	s30 =	sshrl.u32 s11, $0x3;
	s31 =	sadd.s32 $0x4E200, s11  }
0xb: {  	s13 =	sadd.s32 $0x9C400, s11;
	s11 =	sadd.s32 $0xEA600, s11;
	s8 =	sadd.s32 s30, s12  }
0xc: {  	s9 =	sadd.s32 s30, s9;
	s10 =	sshrl.u32 s31, $0x3;
	s13 =	sshrl.u32 s13, $0x3  }
0xd: {  	s14 =	sshrl.u32 s11, $0x3;
	s10 =	sadd.s32 s10, s12;
	s11 =	sadd.s32 s13, s12  }
0xe: {  	s12 =	sadd.s32 s14, s12;
	s13 =	simm.s32 $0x2;
	s14 =	simm.s32 $0x3E8  }
.LBB2_1:
0xf: {  	s17 =	sadd.s32 $0x0, s9  }
0x10: {  	[tilespmem:s2], [sflag:$0x2] =	stream.linear.gather [hbm4b:s17+s2], $0x3E8, $0x38;
	[tilespmem:$0x7D0] =	vst v63  }
0x11: {  	_ =	swait.ge [sflag:s13], $0x3E8  }
0x12: {  	[sflag:s13] =	ssyncset.done $0x0  }
0x13: {  	[sflag:s13] =	ssyncadd.s32 $0xFFFFFC18  }
0x14: {  	[tilespmem:s14], [sflag:$0x1] =	stream.indirect.gather [hbm4b:s3+s14], $0x1, s2, s14, $0xb8;
	[tilespmem:$0x7D0] =	vst v63  }
0x15: {  	_ =	swait.ge [sflag:s15], $0x3E8  }
0x16: {  	[sflag:s15] =	ssyncset.done $0x0  }
0x17: {  	s28 =	sadd.s32 $0x0, s8;
	[sflag:s15] =	ssyncadd.s32 $0xFFFFFC18  }
0x18: {  	[hbm4b:s28+s2] =	stream.linear.scatter [tilespmem:s14], [sflag:$0x2], $0x3E8, $0x38;
	[tilespmem:$0x7D0] =	vst v63  }
0x19: {  	_ =	swait.ge [sflag:s13], $0x3E8  }
0x1a: {  	[sflag:s13] =	ssyncset.done $0x0  }
0x1b: {  	[sflag:s13] =	ssyncadd.s32 $0xFFFFFC18  }
0x1c: {  	[tilespmem:s14], [sflag:$0x1] =	stream.indirect.gather [hbm4b:s4+s14], $0x1, s2, s14, $0xb8;
	[tilespmem:$0x7D0] =	vst v63  }
0x1d: {  	_ =	swait.ge [sflag:s15], $0x3E8  }
0x1e: {  	[sflag:s15] =	ssyncset.done $0x0  }
0x1f: {  	s29 =	sadd.s32 $0x0, s10;
	[sflag:s15] =	ssyncadd.s32 $0xFFFFFC18  }
0x20: {  	[hbm4b:s29+s2] =	stream.linear.scatter [tilespmem:s14], [sflag:$0x2], $0x3E8, $0x38;
	[tilespmem:$0x7D0] =	vst v63  }
0x21: {  	_ =	swait.ge [sflag:s13], $0x3E8  }
0x22: {  	[sflag:s13] =	ssyncset.done $0x0  }
0x23: {  	[sflag:s13] =	ssyncadd.s32 $0xFFFFFC18  }
0x24: {  	[tilespmem:s14], [sflag:$0x1] =	stream.indirect.gather [hbm4b:s5+s14], $0x1, s2, s14, $0xb8;
	[tilespmem:$0x7D0] =	vst v63  }
0x25: {  	_ =	swait.ge [sflag:s15], $0x3E8  }
0x26: {  	[sflag:s15] =	ssyncset.done $0x0  }
0x27: {  	s30 =	sadd.s32 $0x0, s11;
	[sflag:s15] =	ssyncadd.s32 $0xFFFFFC18  }
0x28: {  	[hbm4b:s30+s2] =	stream.linear.scatter [tilespmem:s14], [sflag:$0x2], $0x3E8, $0x38;
	[tilespmem:$0x7D0] =	vst v63  }
0x29: {  	_ =	swait.ge [sflag:s13], $0x3E8  }
0x2a: {  	[sflag:s13] =	ssyncset.done $0x0  }
0x2b: {  	[sflag:s13] =	ssyncadd.s32 $0xFFFFFC18  }
0x2c: {  	[tilespmem:s14], [sflag:$0x1] =	stream.indirect.gather [hbm4b:s6+s14], $0x1, s2, s14, $0xb8;
	[tilespmem:$0x7D0] =	vst v63  }
0x2d: {  	_ =	swait.ge [sflag:s15], $0x3E8  }
0x2e: {  	[sflag:s15] =	ssyncset.done $0x0  }
0x2f: {  	s31 =	sadd.s32 $0x0, s12;
	[sflag:s15] =	ssyncadd.s32 $0xFFFFFC18  }
0x30: {  	[hbm4b:s31+s2] =	stream.linear.scatter [tilespmem:s14], [sflag:$0x2], $0x3E8, $0x38;
	[tilespmem:$0x7D0] =	vst v63  }
0x31: {  	_ =	swait.ge [sflag:s13], $0x3E8  }
0x32: {  	s20 =	simm.s32 $0xFA;
	s17 =	simm.s32 $0x7D;
	[sflag:s13] =	ssyncset.done $0x0  }
.LBB2_2:
0x33: {  	s21 =	sadd.s32 s17, s9  }
0x34: {  	[sflag:s13] =	ssyncadd.s32 $0xFFFFFC18;
	s19 =	smov.u32 s20;
	s18 =	sadd.s32 $0x7D, s20  }
0x35: {  	[tilespmem:s2], [sflag:$0x2] =	stream.linear.gather [hbm4b:s21+s2], $0x3E8, $0x38;
	[tilespmem:$0x7D0] =	vst v63  }
0x36: {  	p0 =	sne.s32 s20, $0x465;
	_ =	swait.ge [sflag:s13], $0x3E8  }
0x37: {  	[sflag:s13] =	ssyncset.done $0x0  }
0x38: {  	[sflag:s13] =	ssyncadd.s32 $0xFFFFFC18  }
0x39: {  	[tilespmem:s14], [sflag:$0x1] =	stream.indirect.gather [hbm4b:s3+s14], $0x1, s2, s14, $0xb8;
	[tilespmem:$0x7D0] =	vst v63  }
0x3a: {  	_ =	swait.ge [sflag:s15], $0x3E8  }
0x3b: {  	[sflag:s15] =	ssyncset.done $0x0  }
0x3c: {  	s20 =	sadd.s32 s17, s8;
	[sflag:s15] =	ssyncadd.s32 $0xFFFFFC18  }
0x3d: {  	[hbm4b:s20+s2] =	stream.linear.scatter [tilespmem:s14], [sflag:$0x2], $0x3E8, $0x38;
	[tilespmem:$0x7D0] =	vst v63  }
0x3e: {  	_ =	swait.ge [sflag:s13], $0x3E8  }
0x3f: {  	[sflag:s13] =	ssyncset.done $0x0  }
0x40: {  	[sflag:s13] =	ssyncadd.s32 $0xFFFFFC18  }
0x41: {  	[tilespmem:s14], [sflag:$0x1] =	stream.indirect.gather [hbm4b:s4+s14], $0x1, s2, s14, $0xb8;
	[tilespmem:$0x7D0] =	vst v63  }
0x42: {  	_ =	swait.ge [sflag:s15], $0x3E8  }
0x43: {  	[sflag:s15] =	ssyncset.done $0x0  }
0x44: {  	s20 =	sadd.s32 s17, s10;
	[sflag:s15] =	ssyncadd.s32 $0xFFFFFC18  }
0x45: {  	[hbm4b:s20+s2] =	stream.linear.scatter [tilespmem:s14], [sflag:$0x2], $0x3E8, $0x38;
	[tilespmem:$0x7D0] =	vst v63  }
0x46: {  	_ =	swait.ge [sflag:s13], $0x3E8  }
0x47: {  	[sflag:s13] =	ssyncset.done $0x0  }
0x48: {  	[sflag:s13] =	ssyncadd.s32 $0xFFFFFC18  }
0x49: {  	[tilespmem:s14], [sflag:$0x1] =	stream.indirect.gather [hbm4b:s5+s14], $0x1, s2, s14, $0xb8;
	[tilespmem:$0x7D0] =	vst v63  }
0x4a: {  	_ =	swait.ge [sflag:s15], $0x3E8  }
0x4b: {  	[sflag:s15] =	ssyncset.done $0x0  }
0x4c: {  	s20 =	sadd.s32 s17, s11;
	[sflag:s15] =	ssyncadd.s32 $0xFFFFFC18  }
0x4d: {  	[hbm4b:s20+s2] =	stream.linear.scatter [tilespmem:s14], [sflag:$0x2], $0x3E8, $0x38;
	[tilespmem:$0x7D0] =	vst v63  }
0x4e: {  	_ =	swait.ge [sflag:s13], $0x3E8  }
0x4f: {  	[sflag:s13] =	ssyncset.done $0x0  }
0x50: {  	[sflag:s13] =	ssyncadd.s32 $0xFFFFFC18  }
0x51: {  	[tilespmem:s14], [sflag:$0x1] =	stream.indirect.gather [hbm4b:s6+s14], $0x1, s2, s14, $0xb8;
	[tilespmem:$0x7D0] =	vst v63  }
0x52: {  	_ =	swait.ge [sflag:s15], $0x3E8  }
.Ltmp0:
0x53: {  	[sflag:s15] =	ssyncset.done $0x0;
	(pc) =	sbr.rel @p0 .LBB2_2-.Ltmp0, $4  }
0x54: {  	s20 =	sadd.s32 s17, s12;
	s17 =	smov.u32 s19;
	[sflag:s15] =	ssyncadd.s32 $0xFFFFFC18  }
0x55: {  	[hbm4b:s20+s2] =	stream.linear.scatter [tilespmem:s14], [sflag:$0x2], $0x3E8, $0x38;
	[tilespmem:$0x7D0] =	vst v63  }
0x56: {  	_ =	swait.ge [sflag:s13], $0x3E8  }
0x57: {  	s20 =	smov.u32 s18;
	[sflag:s13] =	ssyncset.done $0x0  }
0x58: {  	s18 =	sadd.s32 s17, s9;
	[sflag:s13] =	ssyncadd.s32 $0xFFFFFC18  }
0x59: {  	[tilespmem:s2], [sflag:$0x2] =	stream.linear.gather [hbm4b:s18+s2], $0x3E8, $0x38;
	[tilespmem:$0x7D0] =	vst v63  }
0x5a: {  	_ =	swait.ge [sflag:s13], $0x3E8  }
0x5b: {  	[sflag:s13] =	ssyncset.done $0x0  }
0x5c: {  	[sflag:s13] =	ssyncadd.s32 $0xFFFFFC18  }
0x5d: {  	[tilespmem:s14], [sflag:$0x1] =	stream.indirect.gather [hbm4b:s3+s14], $0x1, s2, s14, $0xb8;
	[tilespmem:$0x7D0] =	vst v63  }
0x5e: {  	_ =	swait.ge [sflag:s15], $0x3E8  }
0x5f: {  	[sflag:s15] =	ssyncset.done $0x0  }
0x60: {  	s28 =	sadd.s32 s17, s8;
	[sflag:s15] =	ssyncadd.s32 $0xFFFFFC18  }
0x61: {  	[hbm4b:s28+s2] =	stream.linear.scatter [tilespmem:s14], [sflag:$0x2], $0x3E8, $0x38;
	[tilespmem:$0x7D0] =	vst v63  }
0x62: {  	_ =	swait.ge [sflag:s13], $0x3E8  }
0x63: {  	[sflag:s13] =	ssyncset.done $0x0  }
0x64: {  	[sflag:s13] =	ssyncadd.s32 $0xFFFFFC18  }
0x65: {  	[tilespmem:s14], [sflag:$0x1] =	stream.indirect.gather [hbm4b:s4+s14], $0x1, s2, s14, $0xb8;
	[tilespmem:$0x7D0] =	vst v63  }
0x66: {  	_ =	swait.ge [sflag:s15], $0x3E8  }
0x67: {  	[sflag:s15] =	ssyncset.done $0x0  }
0x68: {  	s29 =	sadd.s32 s17, s10;
	[sflag:s15] =	ssyncadd.s32 $0xFFFFFC18  }
0x69: {  	[hbm4b:s29+s2] =	stream.linear.scatter [tilespmem:s14], [sflag:$0x2], $0x3E8, $0x38;
	[tilespmem:$0x7D0] =	vst v63  }
0x6a: {  	_ =	swait.ge [sflag:s13], $0x3E8  }
0x6b: {  	[sflag:s13] =	ssyncset.done $0x0  }
0x6c: {  	[sflag:s13] =	ssyncadd.s32 $0xFFFFFC18  }
0x6d: {  	[tilespmem:s14], [sflag:$0x1] =	stream.indirect.gather [hbm4b:s5+s14], $0x1, s2, s14, $0xb8;
	[tilespmem:$0x7D0] =	vst v63  }
0x6e: {  	_ =	swait.ge [sflag:s15], $0x3E8  }
0x6f: {  	[sflag:s15] =	ssyncset.done $0x0  }
0x70: {  	s30 =	sadd.s32 s17, s11;
	[sflag:s15] =	ssyncadd.s32 $0xFFFFFC18  }
0x71: {  	[hbm4b:s30+s2] =	stream.linear.scatter [tilespmem:s14], [sflag:$0x2], $0x3E8, $0x38;
	[tilespmem:$0x7D0] =	vst v63  }
0x72: {  	_ =	swait.ge [sflag:s13], $0x3E8  }
0x73: {  	[sflag:s13] =	ssyncset.done $0x0  }
0x74: {  	[sflag:s13] =	ssyncadd.s32 $0xFFFFFC18  }
0x75: {  	[tilespmem:s14], [sflag:$0x1] =	stream.indirect.gather [hbm4b:s6+s14], $0x1, s2, s14, $0xb8;
	[tilespmem:$0x7D0] =	vst v63  }
0x76: {  	s16 =	sadd.s32 $0x1, s16;
	_ =	swait.ge [sflag:s15], $0x3E8  }
0x77: {  	p0 =	sne.s32 s16, s7;
	[sflag:s15] =	ssyncset.done $0x0  }
.Ltmp1:
0x78: {  	s31 =	sadd.s32 s17, s12;
	[sflag:s15] =	ssyncadd.s32 $0xFFFFFC18;
	(pc) =	sbr.rel @p0 .LBB2_1-.Ltmp1, $4  }
0x79: {  	[hbm4b:s31+s2] =	stream.linear.scatter [tilespmem:s14], [sflag:$0x2], $0x3E8, $0x38;
	[tilespmem:$0x7D0] =	vst v63  }
0x7a: {  	_ =	swait.ge [sflag:s13], $0x3E8  }
0x7b: {  	[sflag:s13] =	ssyncset.done $0x0  }
0x7c: {  	[sflag:s13] =	ssyncadd.s32 $0xFFFFFC18  }
0x7d: {  	_ =	sfence.sel $0x180000  }
0x7e: {  	[bflag:$0x0] =	sbarrier.arrive $0xFFFF  }
0x7f: {  	p0 =	sne.s32 s1, $0x0;
	_ =	strace $0x9000004A  }
0x80: {  	s0 =	sadd.s32 @!p0 $0x100000, s0;
	[bflag:$0x2] =	sbarrier.arrive $0xFFFF  }
0x81: {  	[sflag:s0] =	ssyncadd.tile.s32 @!p0 $0x1;
	_ =	shalt  }
.Lfunc_end2:
_tile_overlayer_lowered:
.L_overlay_start_2:
0x82: {  	(tag) =	ssettag $0x2  }
0x83: {  	s0 =	rddreg [dreg:$0x0];
	s2 =	stileid.u32  }
0x84: {  	s1 =	rddreg [dreg:$0x1];
	p0 =	sne.s32 s2, $0x0  }
0x85: {  	s3 =	rddreg [dreg:$0x2];
	[bflag:$0x3] =	sbarrier.arrive $0xFFFF;
	s2 =	simm.s32 @!p0 $0x1C02  }
0x86: {  	[timem:s3], [sflag:s2] =	dma.local @!p0 [hbm:s0], s1  }
0x87: {  	s0 =	simm.s32 @!p0 $0x2  }
0x88: {  	_ =	swait.ge @!p0 [sflag:s0], s1  }
0x89: {  	s1 =	ssub.s32 @!p0 $0x0, s1;
	[sflag:s0] =	ssyncset.done @!p0 $0x0  }
0x8a: {  	[sflag:s0] =	ssyncadd.s32 @!p0 s1  }
0x8b: {  	[bflag:$0x3] =	sbarrier.arrive $0xFFFF  }
0x8c: {  	_ =	shalt  }

// kernel: kernel.14.cloned.1.call-start
scs
__scs_entry_jumppad:
0x0: {  	(pc) =	sbr.rel $0x88, $3  }
0x1: {  	(tag) =	ssettag $0x0;
	lr =	simm.s32 $0x1  }
0x2: {  	[smem:$0x3F93] =	sst lr;
	_ =	strace $0xD0000000  }
0x3: {  	_ = 	snop  }
0x4: {  	_ = 	snop  }
0x5: {  	_ = 	snop  }
0x6: {  	_ = 	snop  }
0x7: {  	_ = 	snop  }
__scs_overlays_trampoline_lowered:
0x8: {  	[smem:$0x3FA2] =	sst s0  }
0x9: {  	[smem:$0x3FA3] =	sst s1  }
0xa: {  	[smem:$0x3FA4] =	sst s2  }
0xb: {  	[smem:$0x3FA5] =	sst s3  }
0xc: {  	[smem:$0x3FA6] =	sst s4  }
0xd: {  	[smem:$0x3FA7] =	sst s5  }
0xe: {  	[smem:$0x3FA8] =	sst s6  }
0xf: {  	[smem:$0x3FA9] =	sst s7  }
0x10: {  	[smem:$0x3FAA] =	sst s8  }
0x11: {  	[smem:$0x3FAB] =	sst s9;
	s0 =	simm.s32 @!p0 $0x0  }
0x12: {  	s1 =	sld [smem:$0x3F91];
	s0 =	simm.s32 @p0 $0x1  }
0x13: {  	[smem:$0x3FAC] =	sst s0;
	s0 =	simm.s32 @!p1 $0x0  }
0x14: {  	s2 =	sld [smem:$0x3F90];
	s0 =	simm.s32 @p1 $0x1  }
0x15: {  	[smem:$0x3FAD] =	sst s0;
	s0 =	simm.s32 @!p2 $0x0  }
0x16: {  	s3 =	sld [smem:$0x3FDB];
	s0 =	simm.s32 @p2 $0x1  }
0x17: {  	s4 =	simm.s32 $0x1BF5;
	[smem:$0x3FAF] =	sst s0  }
0x18: {  	s0 =	sld [smem:$0x3F92];
	_ =	swait.ge [sflag:s4], $0x0  }
0x19: {  	s7 =	sld [smem:$0x3F93]  }
0x1a: {  	s8 =	sadd.s32 $0xFFFFE003, lr  }
0x1b: {  	s9 =	sadd.s32 $0xFFFFFEF7, lr;
	s5 =	simm.s32 $0xFFFFFFFF;
	p2 =	slt.u32 s8, $0xFFFFF086  }
0x1c: {  	p1 =	slt.u32 s9, $0xF7A;
	s5 =	simm.s32 @!p2 $0x0  }
0x1d: {  	s5 =	simm.s32 @p1 $0x1;
	p0 =	seq.s32 s7, s2  }
0x1e: {  	s7 =	smul.u32 @!p0 $0xF7A, s2;
	p2 =	seq.s32 @!p0 s5, $0x0  }
0x1f: {  	s9 =	smul.u32 $0xF7A, s1;
	s8 =	simm.s32 @!p0 $0x1BF5;
	p2 =	por !p2, p0  }
0x20: {  	[sflag:s8] =	ssyncset.s32 @!p0 $0xFFFFF086;
	s6 =	sadd.s32 @!p0 s3, s7;
	s7 =	simm.s32 @!p0 $0x108  }
0x21: {  	s3 =	sadd.s32 s3, s9;
	s6 =	sadd.s32 @!p0 $0x88, s6;
	s7 =	simm.s32 @p2 $0x1082  }
0x22: {  	[simem:s7], [sflag:s8] =	dma.local @!p0 [hbm:s6], $0xF7A  }
0x23: {  	s9 =	sor.u32 $0xD0000000, s2;
	s6 =	simm.s32 $0x108;
	_ =	swait.ge @!p0 [sflag:s8], $0x0  }
0x24: {  	s3 =	sadd.s32 $0x88, s3;
	s6 =	simm.s32 @!p1 $0x1082;
	[sflag:s4] =	ssyncset.s32 $0xFFFFF086  }
0x25: {  	[simem:s6], [sflag:s4] =	dma.local [hbm:s3], $0xF7A  }
0x26: {  	[smem:$0x3F93] =	sst s1;
	(tag) =	ssettag s2;
	_ =	strace s9  }
0x27: {  	s1 =	sld [smem:$0x3FA3]  }
0x28: {  	s2 =	sld [smem:$0x3FA4]  }
0x29: {  	s4 =	sld [smem:$0x3FA6]  }
0x2a: {  	p0 =	seq.s32 s5, $0x0;
	s5 =	sld [smem:$0x3FA7]  }
0x2b: {  	s6 =	sld [smem:$0x3FA8]  }
0x2c: {  	s7 =	sld [smem:$0x3FA9]  }
0x2d: {  	s3 =	simm.s32 $0x108;
	s8 =	sld [smem:$0x3FAA]  }
0x2e: {  	s3 =	simm.s32 @!p0 $0x1082;
	s9 =	sld [smem:$0x3FAB]  }
0x2f: {  	lr =	sadd.s32 s0, s3;
	s0 =	sld [smem:$0x3FA2]  }
0x30: {  	s3 =	sld [smem:$0x3FA5]  }
0x31: {  	[smem:$0x3FAE] =	sst s10  }
0x32: {  	s10 =	sld [smem:$0x3FAC];
	_ =	sdelay $0x3  }
0x33: {  	p0 =	seq.s32 s10, $0x1;
	s10 =	sld [smem:$0x3FAE];
	_ =	sdelay $0x3  }
0x34: {  	[smem:$0x3FAE] =	sst s10  }
0x35: {  	s10 =	sld [smem:$0x3FAD];
	_ =	sdelay $0x3  }
0x36: {  	p1 =	seq.s32 s10, $0x1;
	s10 =	sld [smem:$0x3FAE];
	_ =	sdelay $0x3  }
0x37: {  	[smem:$0x3FAE] =	sst s10  }
0x38: {  	s10 =	sld [smem:$0x3FAF]  }
0x39: {  	_ = 	snop;
	(pc) =	sbr.ind lr, $3  }
0x3a: {  	_ = 	snop  }
0x3b: {  	_ = 	snop  }
0x3c: {  	p2 =	seq.s32 s10, $0x1;
	s10 =	sld [smem:$0x3FAE]  }
0x3d: {  	_ =	shalt  }
0x3e: {  	_ =	shalt  }
0x3f: {  	_ =	shalt  }
0x40: {  	_ =	shalt  }
0x41: {  	_ =	shalt  }
0x42: {  	_ =	shalt  }
0x43: {  	_ =	shalt  }
0x44: {  	_ =	shalt  }
0x45: {  	_ =	shalt  }
0x46: {  	_ =	shalt  }
0x47: {  	_ =	shalt  }
0x48: {  	_ =	shalt  }
0x49: {  	_ =	shalt  }
0x4a: {  	_ =	shalt  }
0x4b: {  	_ =	shalt  }
0x4c: {  	_ =	shalt  }
0x4d: {  	_ =	shalt  }
0x4e: {  	_ =	shalt  }
0x4f: {  	_ =	shalt  }
0x50: {  	_ =	shalt  }
0x51: {  	_ =	shalt  }
0x52: {  	_ =	shalt  }
0x53: {  	_ =	shalt  }
0x54: {  	_ =	shalt  }
0x55: {  	_ =	shalt  }
0x56: {  	_ =	shalt  }
0x57: {  	_ =	shalt  }
0x58: {  	_ =	shalt  }
0x59: {  	_ =	shalt  }
0x5a: {  	_ =	shalt  }
0x5b: {  	_ =	shalt  }
0x5c: {  	_ =	shalt  }
0x5d: {  	_ =	shalt  }
0x5e: {  	_ =	shalt  }
0x5f: {  	_ =	shalt  }
0x60: {  	_ =	shalt  }
0x61: {  	_ =	shalt  }
0x62: {  	_ =	shalt  }
0x63: {  	_ =	shalt  }
0x64: {  	_ =	shalt  }
0x65: {  	_ =	shalt  }
0x66: {  	_ =	shalt  }
0x67: {  	_ =	shalt  }
0x68: {  	_ =	shalt  }
0x69: {  	_ =	shalt  }
0x6a: {  	_ =	shalt  }
0x6b: {  	_ =	shalt  }
0x6c: {  	_ =	shalt  }
0x6d: {  	_ =	shalt  }
0x6e: {  	_ =	shalt  }
0x6f: {  	_ =	shalt  }
0x70: {  	_ =	shalt  }
0x71: {  	_ =	shalt  }
0x72: {  	_ =	shalt  }
0x73: {  	_ =	shalt  }
0x74: {  	_ =	shalt  }
0x75: {  	_ =	shalt  }
0x76: {  	_ =	shalt  }
0x77: {  	_ =	shalt  }
0x78: {  	_ =	shalt  }
0x79: {  	_ =	shalt  }
0x7a: {  	_ =	shalt  }
0x7b: {  	_ =	shalt  }
0x7c: {  	_ =	shalt  }
0x7d: {  	_ =	shalt  }
0x7e: {  	_ =	shalt  }
0x7f: {  	_ =	shalt  }
0x80: {  	_ =	shalt  }
0x81: {  	_ =	shalt  }
0x82: {  	_ =	shalt  }
0x83: {  	_ =	shalt  }
0x84: {  	_ =	shalt  }
0x85: {  	_ =	shalt  }
0x86: {  	_ =	shalt  }
0x87: {  	_ =	shalt  }
.Lfunc_end0:
.L_simem_size_0:
called_computation.2_lowered:
.L_overlay_start_0:
0x88: {  	s2 =	sld [smem:$0x3FD9]  }
0x89: {  	s3 =	sld [smem:$0x3FFE];
	_ =	sdelay $0x1  }
0x8a: {  	s1 =	srdreg.scid  }
0x8b: {  	s0 =	sand.u32 $0x1, s1  }
0x8c: {  	s17 =	sshll.u32 s0, $0xA;
	s2 =	sadd.s32 s3, s2  }
0x8d: {  	s2 =	sadd.s32 s2, s17  }
0x8e: {  	[smem:$0x3FBA] =	sst s2  }
0x8f: {  	_ = 	snop  }
0x90: {  	s2 =	sld [smem:$0x3FBE];
	(tm) =	ssettm $0x1  }
0x91: {  	s18 =	sld [smem:$0x3FFB];
	_ =	sdelay $0x3  }
0x92: {  	_ =	strace s18  }
0x93: {  	s3 =	sld [smem:$0x3FFC];
	_ =	sdelay $0x3  }
0x94: {  	_ =	strace s3  }
0x95: {  	s3 =	sld [smem:$0x3FFD];
	_ =	sdelay $0x3  }
0x96: {  	_ =	strace s3  }
0x97: {  	_ =	strace $0x8FFFFFFF  }
0x98: {  	s19 =	sld [smem:$0x3FDB];
	_ =	sdelay $0x1  }
0x99: {  	s4 =	simm.s32 $_scs_section_size  }
0x9a: {  	s5 =	simm.s32 $_size__tile_overlayer_lowered;
	s6 =	simm.s32 $_tile_overlayer_lowered  }
0x9b: {  	s22 =	simm.s32 $0x1BFF;
	s21 =	sshll.u32 s6, $0x1;
	s3 =	sadd.s32 s4, s19  }
0x9c: {  	s7 =	simm.s32 $0x0;
	s20 =	sshll.u32 s5, $0x1;
	s5 =	sadd.s32 s21, s3  }
0x9d: {  	[timem:s7], [sflag:s22] =	dma.local [hbm:s5], s20  }
0x9e: {  	_ =	swait.ge [sflag:s22], s20  }
0x9f: {  	s4 =	ssub.s32 $0x0, s20;
	[sflag:s22] =	ssyncset.done $0x0  }
0xa0: {  	[sflag:s22] =	ssyncadd.s32 s4;
	_ =	sdelay $0x1  }
0xa1: {  	s23 =	simm.s32 $0x1B8B  }
0xa2: {  	_ =	swait.ge [sflag:s23], $0x1  }
0xa3: {  	[sflag:s23] =	ssyncset.done $0x0  }
0xa4: {  	s25 =	simm.s32 $0x1B8E;
	s24 =	sld [smem:$0x3FFE];
	[sflag:s23] =	ssyncadd.s32 $0xFFFFFFFF  }
0xa5: {  	s26 =	simm.s32 $execute0_lowered;
	[smem:$0x3FD2] =	sst s25  }
0xa6: {  	s5 =	sshll.u32 s26, $0x1;
	_ =	strace $0x8000004C;
	[dreg:$0x1] =	wrdreg $0xFFFFFFFF  }
0xa7: {  	s28 =	simm.s32 $_size_execute0_lowered;
	s3 =	sadd.s32 s3, s5;
	[dreg:$0x0] =	wrdreg $0x0  }
0xa8: {  	s5 =	sshll.u32 s28, $0x1;
	[dreg:$0x2] =	wrdreg s3  }
0xa9: {  	[dreg:$0x3] =	wrdreg s5  }
0xaa: {  	[dreg:$0x4] =	wrdreg $0xC0  }
0xab: {  	_ =	task [dreg:s7], $0x5FFFF  }
0xac: {  	[dreg:$0x1] =	wrdreg $0xFFFFFFFF  }
0xad: {  	[dreg:$0x0] =	wrdreg $0x60  }
0xae: {  	[dreg:$0x2] =	wrdreg s24  }
0xaf: {  	[dreg:$0x3] =	wrdreg s2  }
0xb0: {  	[dreg:$0x4] =	wrdreg $0xBB80  }
0xb1: {  	[dreg:$0x5] =	wrdreg $0x9  }
0xb2: {  	_ =	task.clear_ibuf [dreg:s7], $0x6FFFF;
	_ =	strace $0x9000004C  }
0xb3: {  	s29 =	simm.s32 $0x9;
	_ =	strace $0x8000004E  }
0xb4: {  	_ =	swait.ge [sflag:s29], $0x1  }
0xb5: {  	[sflag:s29] =	ssyncadd.s32 $0xFFFFFFFF  }
0xb6: {  	_ =	strace $0x9000004E  }
0xb7: {  	_ =	sfence  }
0xb8: {  	s30 =	sld [smem:$0x0];
	_ =	sdelay $0x2  }
0xb9: {  	s31 =	sshll.u32 s1, $0xD;
	s1 =	sshrl.u32 s1, $0x2  }
0xba: {  	s3 =	sand.u32 $0x4000, s31;
	s1 =	sadd.s32 s1, s30  }
0xbb: {  	s0 =	sor.u32 s3, s0;
	s1 =	sshll.u32 s1, $0x11  }
0xbc: {  	s0 =	sor.u32 s1, s0  }
0xbd: {  	s0 =	sadd.s32 $0x8F2B, s0  }
0xbe: {  	[sflag:s0] =	ssyncadd.remote.s32 $0x1  }
0xbf: {  	_ =	sfence.sel $0xFFFF  }
0xc0: {  	[dreg:$0x0] =	wrdreg $0xFFFFFFFF;
	(pc) =	sbr.abs _section_cstart, $3  }
0xc1: {  	[dreg:$0x1] =	wrdreg $0xFFFFFFFF  }
0xc2: {  	_ =	task.clear_ibuf [dreg:s7], $0x2FFFF;
	_ =	strace $0x9FFFFFFF  }
0xc3: {  	(tm) =	ssettm $0x7FFFFFFF  }
tec
execute0_lowered:
.L_overlay_start_1:
0x0: {  	(tag) =	ssettag $0x1  }
0x1: {  	s6 =	rddreg [dreg:$0x0]  }
0x2: {  	s16 =	rddreg [dreg:$0x1]  }
0x3: {  	s1 =	rddreg [dreg:$0x2]  }
0x4: {  	s4 =	srdreg.scid;
	s2 =	stileid.u32  }
0x5: {  	s3 =	simm.s32 $0x0;
	s21 =	simm.s32 $0x1;
	s22 =	simm.s32 $0x3E8  }
0x6: {  	s26 =	simm.s32 $0x0;
	s8 =	sand.u32 $0x1, s4;
	s9 =	smul.u32 $0x7D0, s2  }
0x7: {  	[smem:$0x7FF] =	sst s3;
	s18 =	sadd.s32 $0x2C00, s6;
	s17 =	smul.u32 $0x2710, s2  }
0x8: {  	p0 =	sne.s32 s2, $0x0;
	s4 =	smul.u32 $0x1F400, s8;
	_ =	strace $0x8000004D  }
0x9: {  	s7 =	ssub.s32 $0x2, s8;
	s15 =	smul.u32 $0x27100, s8;
	s8 =	sadd.s32 $0x17700, s1  }
0xa: {  	s11 =	sshrl.u32 s7, $0x1;
	s5 =	sadd.s32 s9, s4;
	s4 =	sadd.s32 $0x20200, s6  }
0xb: {  	s14 =	ssub.s32 s7, s11;
	s7 =	sadd.s32 $0xFA00, s1;
	s9 =	sadd.s32 s9, s1  }
0xc: {  	s17 =	sadd.s32 s17, s15;
	s10 =	sshrl.u32 s5, $0x3;
	s5 =	sadd.s32 $0x2A00, s6  }
0xd: {  	s23 =	sadd.s32 $0x7D00, s9;
	s24 =	sadd.s32 $0xFA00, s9;
	s25 =	sadd.s32 $0x17700, s9  }
0xe: {  	s19 =	sshrl.u32 s17, $0x3;
	s14 =	smax.u32 s14, $0x1;
	s20 =	sadd.s32 $0x4E200, s17  }
0xf: {  	s30 =	sadd.s32 $0x9C400, s17;
	s13 =	sadd.s32 s10, s6;
	s6 =	sadd.s32 $0x7D00, s1  }
0x10: {  	s15 =	sadd.s32 s19, s18;
	s16 =	sadd.s32 s19, s16;
	s29 =	sshrl.u32 s20, $0x3  }
0x11: {  	s31 =	sshrl.u32 s30, $0x3;
	s19 =	sshrl.u32 @!p0 s1, $0x3;
	s20 =	simm.s32 $0x7D0  }
0x12: {  	s23 =	sshrl.u32 s23, $0x3;
	s24 =	sshrl.u32 s24, $0x3;
	s25 =	sshrl.u32 s25, $0x3  }
0x13: {  	s10 =	sadd.s32 $0x24200, s13;
	s11 =	sadd.s32 $0x251A0, s13;
	s12 =	sadd.s32 $0x26140, s13  }
0x14: {  	s13 =	sadd.s32 $0x270E0, s13;
	s17 =	sadd.s32 s29, s18;
	s18 =	sadd.s32 s31, s18  }
.LBB2_1:
0x15: {  	s28 =	simm.s32 @!p0 $0x1C01  }
0x16: {  	[spmem:s19], [sflag:s28] =	dma.local @!p0 [hbm:s4], $0x3E80  }
0x17: {  	s28 =	simm.s32 @!p0 $0x1  }
0x18: {  	_ =	swait.ge @!p0 [sflag:s28], $0x3E80  }
0x19: {  	[sflag:s28] =	ssyncset.done @!p0 $0x0  }
0x1a: {  	[sflag:s28] =	ssyncadd.s32 @!p0 $0xFFFFC180  }
0x1b: {  	[tilespmem:s20], [sflag:$0x1] =	stream.linear.gather [hbm4b:s5+s3], $0x3E8, $0x38;
	[tilespmem:$0x2AF8] =	vst v63  }
0x1c: {  	_ =	swait.ge [sflag:s21], $0x3E8  }
0x1d: {  	[sflag:s21] =	ssyncset.done $0x0  }
0x1e: {  	[sflag:s21] =	ssyncadd.s32 $0xFFFFFC18  }
0x1f: {  	s28 =	sadd.s32 $0x0, s16;
	[bflag:$0x0] =	sbarrier.arrive $0xFFFF  }
0x20: {  	[tilespmem:s3], [sflag:$0x1] =	stream.linear.gather [hbm4b:s28+s3], $0x3E8, $0x38;
	[tilespmem:$0x2AF8] =	vst v63  }
0x21: {  	_ =	swait.ge [sflag:s21], $0x3E8  }
0x22: {  	[sflag:s21] =	ssyncset.done $0x0  }
0x23: {  	s28 =	sadd.s32 $0x0, s15;
	[sflag:s21] =	ssyncadd.s32 $0xFFFFFC18  }
0x24: {  	[tilespmem:s22], [sflag:$0x1] =	stream.linear.gather [hbm4b:s28+s3], $0x3E8, $0x38;
	[tilespmem:$0x2AF8] =	vst v63  }
0x25: {  	_ =	swait.ge [sflag:s21], $0x3E8  }
0x26: {  	[sflag:s21] =	ssyncset.done $0x0  }
0x27: {  	[sflag:s21] =	ssyncadd.s32 $0xFFFFFC18  }
0x28: {  	[spmem:s1] =	stream.indirect.scatter.add.f32 [tilespmem:s22], [sflag:$0x1], $0x1, s3, s22, $0xb8;
	[tilespmem:$0x2AF8] =	vst v63  }
0x29: {  	_ =	swait.ge [sflag:s21], $0x3E8  }
0x2a: {  	[sflag:s21] =	ssyncset.done $0x0  }
0x2b: {  	s28 =	sadd.s32 $0x0, s17;
	[sflag:s21] =	ssyncadd.s32 $0xFFFFFC18  }
0x2c: {  	[tilespmem:s22], [sflag:$0x1] =	stream.linear.gather [hbm4b:s28+s3], $0x3E8, $0x38;
	[tilespmem:$0x2AF8] =	vst v63  }
0x2d: {  	_ =	swait.ge [sflag:s21], $0x3E8  }
0x2e: {  	[sflag:s21] =	ssyncset.done $0x0  }
0x2f: {  	[sflag:s21] =	ssyncadd.s32 $0xFFFFFC18  }
0x30: {  	[spmem:s6] =	stream.indirect.scatter.add.f32 [tilespmem:s22], [sflag:$0x1], $0x1, s3, s22, $0xb8;
	[tilespmem:$0x2AF8] =	vst v63  }
0x31: {  	_ =	swait.ge [sflag:s21], $0x3E8  }
0x32: {  	[sflag:s21] =	ssyncset.done $0x0  }
0x33: {  	s28 =	sadd.s32 $0x0, s18;
	[sflag:s21] =	ssyncadd.s32 $0xFFFFFC18  }
0x34: {  	[tilespmem:s22], [sflag:$0x1] =	stream.linear.gather [hbm4b:s28+s3], $0x3E8, $0x38;
	[tilespmem:$0x2AF8] =	vst v63  }
0x35: {  	_ =	swait.ge [sflag:s21], $0x3E8  }
0x36: {  	[sflag:s21] =	ssyncset.done $0x0  }
0x37: {  	[sflag:s21] =	ssyncadd.s32 $0xFFFFFC18  }
0x38: {  	[spmem:s7] =	stream.indirect.scatter.add.f32 [tilespmem:s22], [sflag:$0x1], $0x1, s3, s22, $0xb8;
	[tilespmem:$0x2AF8] =	vst v63  }
0x39: {  	_ =	swait.ge [sflag:s21], $0x3E8  }
0x3a: {  	[sflag:s21] =	ssyncset.done $0x0  }
0x3b: {  	[sflag:s21] =	ssyncadd.s32 $0xFFFFFC18  }
0x3c: {  	[spmem:s8] =	stream.indirect.scatter.add.f32 [tilespmem:s20], [sflag:$0x1], $0x1, s3, s22, $0xb8;
	[tilespmem:$0x2AF8] =	vst v63  }
0x3d: {  	_ =	swait.ge [sflag:s21], $0x3E8  }
0x3e: {  	s30 =	simm.s32 $0xFA;
	s28 =	simm.s32 $0x7D;
	[sflag:s21] =	ssyncset.done $0x0  }
.LBB2_2:
0x3f: {  	s31 =	sadd.s32 s28, s16  }
0x40: {  	[sflag:s21] =	ssyncadd.s32 $0xFFFFFC18;
	s0 =	smov.u32 s30;
	s29 =	sadd.s32 $0x7D, s30  }
0x41: {  	[tilespmem:s3], [sflag:$0x1] =	stream.linear.gather [hbm4b:s31+s3], $0x3E8, $0x38;
	[tilespmem:$0x2AF8] =	vst v63  }
0x42: {  	p1 =	sne.s32 s30, $0x465;
	_ =	swait.ge [sflag:s21], $0x3E8  }
0x43: {  	[sflag:s21] =	ssyncset.done $0x0  }
0x44: {  	s30 =	sadd.s32 s28, s15;
	[sflag:s21] =	ssyncadd.s32 $0xFFFFFC18  }
0x45: {  	[tilespmem:s22], [sflag:$0x1] =	stream.linear.gather [hbm4b:s30+s3], $0x3E8, $0x38;
	[tilespmem:$0x2AF8] =	vst v63  }
0x46: {  	_ =	swait.ge [sflag:s21], $0x3E8  }
0x47: {  	[sflag:s21] =	ssyncset.done $0x0  }
0x48: {  	[sflag:s21] =	ssyncadd.s32 $0xFFFFFC18  }
0x49: {  	[spmem:s1] =	stream.indirect.scatter.add.f32 [tilespmem:s22], [sflag:$0x1], $0x1, s3, s22, $0xb8;
	[tilespmem:$0x2AF8] =	vst v63  }
0x4a: {  	_ =	swait.ge [sflag:s21], $0x3E8  }
0x4b: {  	[sflag:s21] =	ssyncset.done $0x0  }
0x4c: {  	s30 =	sadd.s32 s28, s17;
	[sflag:s21] =	ssyncadd.s32 $0xFFFFFC18  }
0x4d: {  	[tilespmem:s22], [sflag:$0x1] =	stream.linear.gather [hbm4b:s30+s3], $0x3E8, $0x38;
	[tilespmem:$0x2AF8] =	vst v63  }
0x4e: {  	_ =	swait.ge [sflag:s21], $0x3E8  }
0x4f: {  	[sflag:s21] =	ssyncset.done $0x0  }
0x50: {  	[sflag:s21] =	ssyncadd.s32 $0xFFFFFC18  }
0x51: {  	[spmem:s6] =	stream.indirect.scatter.add.f32 [tilespmem:s22], [sflag:$0x1], $0x1, s3, s22, $0xb8;
	[tilespmem:$0x2AF8] =	vst v63  }
0x52: {  	_ =	swait.ge [sflag:s21], $0x3E8  }
0x53: {  	[sflag:s21] =	ssyncset.done $0x0  }
0x54: {  	s30 =	sadd.s32 s28, s18;
	s28 =	smov.u32 s0;
	[sflag:s21] =	ssyncadd.s32 $0xFFFFFC18  }
0x55: {  	[tilespmem:s22], [sflag:$0x1] =	stream.linear.gather [hbm4b:s30+s3], $0x3E8, $0x38;
	[tilespmem:$0x2AF8] =	vst v63  }
0x56: {  	_ =	swait.ge [sflag:s21], $0x3E8  }
0x57: {  	[sflag:s21] =	ssyncset.done $0x0  }
0x58: {  	[sflag:s21] =	ssyncadd.s32 $0xFFFFFC18  }
0x59: {  	[spmem:s7] =	stream.indirect.scatter.add.f32 [tilespmem:s22], [sflag:$0x1], $0x1, s3, s22, $0xb8;
	[tilespmem:$0x2AF8] =	vst v63  }
0x5a: {  	_ =	swait.ge [sflag:s21], $0x3E8  }
.Ltmp0:
0x5b: {  	[sflag:s21] =	ssyncset.done $0x0;
	(pc) =	sbr.rel @p1 .LBB2_2-.Ltmp0, $4  }
0x5c: {  	[sflag:s21] =	ssyncadd.s32 $0xFFFFFC18  }
0x5d: {  	[spmem:s8] =	stream.indirect.scatter.add.f32 [tilespmem:s20], [sflag:$0x1], $0x1, s3, s22, $0xb8;
	[tilespmem:$0x2AF8] =	vst v63  }
0x5e: {  	_ =	swait.ge [sflag:s21], $0x3E8  }
0x5f: {  	s30 =	smov.u32 s29;
	[sflag:s21] =	ssyncset.done $0x0  }
0x60: {  	s0 =	sadd.s32 s28, s16;
	[sflag:s21] =	ssyncadd.s32 $0xFFFFFC18  }
0x61: {  	[tilespmem:s3], [sflag:$0x1] =	stream.linear.gather [hbm4b:s0+s3], $0x3E8, $0x38;
	[tilespmem:$0x2AF8] =	vst v63  }
0x62: {  	_ =	swait.ge [sflag:s21], $0x3E8  }
0x63: {  	[sflag:s21] =	ssyncset.done $0x0  }
0x64: {  	s30 =	sadd.s32 s28, s15;
	[sflag:s21] =	ssyncadd.s32 $0xFFFFFC18  }
0x65: {  	[tilespmem:s22], [sflag:$0x1] =	stream.linear.gather [hbm4b:s30+s3], $0x3E8, $0x38;
	[tilespmem:$0x2AF8] =	vst v63  }
0x66: {  	_ =	swait.ge [sflag:s21], $0x3E8  }
0x67: {  	[sflag:s21] =	ssyncset.done $0x0  }
0x68: {  	[sflag:s21] =	ssyncadd.s32 $0xFFFFFC18  }
0x69: {  	[spmem:s1] =	stream.indirect.scatter.add.f32 [tilespmem:s22], [sflag:$0x1], $0x1, s3, s22, $0xb8;
	[tilespmem:$0x2AF8] =	vst v63  }
0x6a: {  	_ =	swait.ge [sflag:s21], $0x3E8  }
0x6b: {  	[sflag:s21] =	ssyncset.done $0x0  }
0x6c: {  	s31 =	sadd.s32 s28, s17;
	[sflag:s21] =	ssyncadd.s32 $0xFFFFFC18  }
0x6d: {  	[tilespmem:s22], [sflag:$0x1] =	stream.linear.gather [hbm4b:s31+s3], $0x3E8, $0x38;
	[tilespmem:$0x2AF8] =	vst v63  }
0x6e: {  	_ =	swait.ge [sflag:s21], $0x3E8  }
0x6f: {  	[sflag:s21] =	ssyncset.done $0x0  }
0x70: {  	[sflag:s21] =	ssyncadd.s32 $0xFFFFFC18  }
0x71: {  	[spmem:s6] =	stream.indirect.scatter.add.f32 [tilespmem:s22], [sflag:$0x1], $0x1, s3, s22, $0xb8;
	[tilespmem:$0x2AF8] =	vst v63  }
0x72: {  	_ =	swait.ge [sflag:s21], $0x3E8  }
0x73: {  	[sflag:s21] =	ssyncset.done $0x0  }
0x74: {  	s29 =	sadd.s32 s28, s18;
	[sflag:s21] =	ssyncadd.s32 $0xFFFFFC18  }
0x75: {  	[tilespmem:s22], [sflag:$0x1] =	stream.linear.gather [hbm4b:s29+s3], $0x3E8, $0x38;
	[tilespmem:$0x2AF8] =	vst v63  }
0x76: {  	_ =	swait.ge [sflag:s21], $0x3E8  }
0x77: {  	[sflag:s21] =	ssyncset.done $0x0  }
0x78: {  	[sflag:s21] =	ssyncadd.s32 $0xFFFFFC18  }
0x79: {  	[spmem:s7] =	stream.indirect.scatter.add.f32 [tilespmem:s22], [sflag:$0x1], $0x1, s3, s22, $0xb8;
	[tilespmem:$0x2AF8] =	vst v63  }
0x7a: {  	_ =	swait.ge [sflag:s21], $0x3E8  }
0x7b: {  	[sflag:s21] =	ssyncset.done $0x0  }
0x7c: {  	[sflag:s21] =	ssyncadd.s32 $0xFFFFFC18  }
0x7d: {  	[spmem:s8] =	stream.indirect.scatter.add.f32 [tilespmem:s20], [sflag:$0x1], $0x1, s3, s22, $0xb8;
	[tilespmem:$0x2AF8] =	vst v63  }
0x7e: {  	_ =	swait.ge [sflag:s21], $0x3E8  }
0x7f: {  	[sflag:s21] =	ssyncset.done $0x0  }
0x80: {  	s30 =	sshll.u32 s2, $0x6;
	[sflag:s21] =	ssyncadd.s32 $0xFFFFFC18  }
0x81: {  	s0 =	sor.u32 $0x1C01, s30;
	s31 =	sshrl.u32 s9, $0x3;
	[bflag:$0x0] =	sbarrier.arrive $0xFFFF  }
0x82: {  	[hbm:s10], [sflag:s0] =	dma.local [spmem:s31], $0xFA  }
0x83: {  	_ =	swait.ge [sflag:s21], $0xFA  }
0x84: {  	[sflag:s21] =	ssyncset.done $0x0  }
0x85: {  	[sflag:s21] =	ssyncadd.s32 $0xFFFFFF06  }
0x86: {  	[hbm:s11], [sflag:s0] =	dma.local [spmem:s23], $0xFA  }
0x87: {  	_ =	swait.ge [sflag:s21], $0xFA  }
0x88: {  	[sflag:s21] =	ssyncset.done $0x0  }
0x89: {  	[sflag:s21] =	ssyncadd.s32 $0xFFFFFF06  }
0x8a: {  	[hbm:s12], [sflag:s0] =	dma.local [spmem:s24], $0xFA  }
0x8b: {  	s26 =	sadd.s32 $0x1, s26;
	_ =	swait.ge [sflag:s21], $0xFA  }
0x8c: {  	p1 =	sne.s32 s26, s14;
	[sflag:s21] =	ssyncset.done $0x0  }
.Ltmp1:
0x8d: {  	[sflag:s21] =	ssyncadd.s32 $0xFFFFFF06;
	(pc) =	sbr.rel @p1 .LBB2_1-.Ltmp1, $4  }
0x8e: {  	[hbm:s13], [sflag:s0] =	dma.local [spmem:s25], $0xFA  }
0x8f: {  	_ =	swait.ge [sflag:s21], $0xFA  }
0x90: {  	[sflag:s21] =	ssyncset.done $0x0  }
0x91: {  	[sflag:s21] =	ssyncadd.s32 $0xFFFFFF06  }
0x92: {  	_ =	sfence.sel $0x180000  }
0x93: {  	[bflag:$0x0] =	sbarrier.arrive $0xFFFF  }
0x94: {  	_ =	strace $0x9000004D  }
0x95: {  	[bflag:$0x2] =	sbarrier.arrive $0xFFFF  }
0x96: {  	s0 =	rddreg [dreg:$0x3]  }
0x97: {  	s0 =	sadd.s32 @!p0 $0x100000, s0  }
0x98: {  	[sflag:s0] =	ssyncadd.tile.s32 @!p0 $0x1;
	_ =	shalt  }
.Lfunc_end2:
_tile_overlayer_lowered:
.L_overlay_start_2:
0x99: {  	(tag) =	ssettag $0x2  }
0x9a: {  	s0 =	rddreg [dreg:$0x0];
	s2 =	stileid.u32  }
0x9b: {  	s1 =	rddreg [dreg:$0x1];
	p0 =	sne.s32 s2, $0x0  }
0x9c: {  	s3 =	rddreg [dreg:$0x2];
	[bflag:$0x3] =	sbarrier.arrive $0xFFFF;
	s2 =	simm.s32 @!p0 $0x1C01  }
0x9d: {  	[timem:s3], [sflag:s2] =	dma.local @!p0 [hbm:s0], s1  }
0x9e: {  	s0 =	simm.s32 @!p0 $0x1  }
0x9f: {  	_ =	swait.ge @!p0 [sflag:s0], s1  }
0xa0: {  	s1 =	ssub.s32 @!p0 $0x0, s1;
	[sflag:s0] =	ssyncset.done @!p0 $0x0  }
0xa1: {  	[sflag:s0] =	ssyncadd.s32 @!p0 s1  }
0xa2: {  	[bflag:$0x3] =	sbarrier.arrive $0xFFFF  }
0xa3: {  	_ =	shalt  }

// kernel: kernel.8.cloned.1.call-start
scs
__scs_entry_jumppad:
0x0: {  	(pc) =	sbr.rel $0x88, $3  }
0x1: {  	(tag) =	ssettag $0x0;
	lr =	simm.s32 $0x1  }
0x2: {  	[smem:$0x3F93] =	sst lr;
	_ =	strace $0xD0000000  }
0x3: {  	_ = 	snop  }
0x4: {  	_ = 	snop  }
0x5: {  	_ = 	snop  }
0x6: {  	_ = 	snop  }
0x7: {  	_ = 	snop  }
__scs_overlays_trampoline_lowered:
0x8: {  	[smem:$0x3FA2] =	sst s0  }
0x9: {  	[smem:$0x3FA3] =	sst s1  }
0xa: {  	[smem:$0x3FA4] =	sst s2  }
0xb: {  	[smem:$0x3FA5] =	sst s3  }
0xc: {  	[smem:$0x3FA6] =	sst s4  }
0xd: {  	[smem:$0x3FA7] =	sst s5  }
0xe: {  	[smem:$0x3FA8] =	sst s6  }
0xf: {  	[smem:$0x3FA9] =	sst s7  }
0x10: {  	[smem:$0x3FAA] =	sst s8  }
0x11: {  	[smem:$0x3FAB] =	sst s9;
	s0 =	simm.s32 @!p0 $0x0  }
0x12: {  	s1 =	sld [smem:$0x3F91];
	s0 =	simm.s32 @p0 $0x1  }
0x13: {  	[smem:$0x3FAC] =	sst s0;
	s0 =	simm.s32 @!p1 $0x0  }
0x14: {  	s2 =	sld [smem:$0x3F90];
	s0 =	simm.s32 @p1 $0x1  }
0x15: {  	[smem:$0x3FAD] =	sst s0;
	s0 =	simm.s32 @!p2 $0x0  }
0x16: {  	s3 =	sld [smem:$0x3FDB];
	s0 =	simm.s32 @p2 $0x1  }
0x17: {  	s4 =	simm.s32 $0x1BF5;
	[smem:$0x3FAF] =	sst s0  }
0x18: {  	s0 =	sld [smem:$0x3F92];
	_ =	swait.ge [sflag:s4], $0x0  }
0x19: {  	s7 =	sld [smem:$0x3F93]  }
0x1a: {  	s8 =	sadd.s32 $0xFFFFE003, lr  }
0x1b: {  	s9 =	sadd.s32 $0xFFFFFEF7, lr;
	s5 =	simm.s32 $0xFFFFFFFF;
	p2 =	slt.u32 s8, $0xFFFFF086  }
0x1c: {  	p1 =	slt.u32 s9, $0xF7A;
	s5 =	simm.s32 @!p2 $0x0  }
0x1d: {  	s5 =	simm.s32 @p1 $0x1;
	p0 =	seq.s32 s7, s2  }
0x1e: {  	s7 =	smul.u32 @!p0 $0xF7A, s2;
	p2 =	seq.s32 @!p0 s5, $0x0  }
0x1f: {  	s9 =	smul.u32 $0xF7A, s1;
	s8 =	simm.s32 @!p0 $0x1BF5;
	p2 =	por !p2, p0  }
0x20: {  	[sflag:s8] =	ssyncset.s32 @!p0 $0xFFFFF086;
	s6 =	sadd.s32 @!p0 s3, s7;
	s7 =	simm.s32 @!p0 $0x108  }
0x21: {  	s3 =	sadd.s32 s3, s9;
	s6 =	sadd.s32 @!p0 $0x88, s6;
	s7 =	simm.s32 @p2 $0x1082  }
0x22: {  	[simem:s7], [sflag:s8] =	dma.local @!p0 [hbm:s6], $0xF7A  }
0x23: {  	s9 =	sor.u32 $0xD0000000, s2;
	s6 =	simm.s32 $0x108;
	_ =	swait.ge @!p0 [sflag:s8], $0x0  }
0x24: {  	s3 =	sadd.s32 $0x88, s3;
	s6 =	simm.s32 @!p1 $0x1082;
	[sflag:s4] =	ssyncset.s32 $0xFFFFF086  }
0x25: {  	[simem:s6], [sflag:s4] =	dma.local [hbm:s3], $0xF7A  }
0x26: {  	[smem:$0x3F93] =	sst s1;
	(tag) =	ssettag s2;
	_ =	strace s9  }
0x27: {  	s1 =	sld [smem:$0x3FA3]  }
0x28: {  	s2 =	sld [smem:$0x3FA4]  }
0x29: {  	s4 =	sld [smem:$0x3FA6]  }
0x2a: {  	p0 =	seq.s32 s5, $0x0;
	s5 =	sld [smem:$0x3FA7]  }
0x2b: {  	s6 =	sld [smem:$0x3FA8]  }
0x2c: {  	s7 =	sld [smem:$0x3FA9]  }
0x2d: {  	s3 =	simm.s32 $0x108;
	s8 =	sld [smem:$0x3FAA]  }
0x2e: {  	s3 =	simm.s32 @!p0 $0x1082;
	s9 =	sld [smem:$0x3FAB]  }
0x2f: {  	lr =	sadd.s32 s0, s3;
	s0 =	sld [smem:$0x3FA2]  }
0x30: {  	s3 =	sld [smem:$0x3FA5]  }
0x31: {  	[smem:$0x3FAE] =	sst s10  }
0x32: {  	s10 =	sld [smem:$0x3FAC];
	_ =	sdelay $0x3  }
0x33: {  	p0 =	seq.s32 s10, $0x1;
	s10 =	sld [smem:$0x3FAE];
	_ =	sdelay $0x3  }
0x34: {  	[smem:$0x3FAE] =	sst s10  }
0x35: {  	s10 =	sld [smem:$0x3FAD];
	_ =	sdelay $0x3  }
0x36: {  	p1 =	seq.s32 s10, $0x1;
	s10 =	sld [smem:$0x3FAE];
	_ =	sdelay $0x3  }
0x37: {  	[smem:$0x3FAE] =	sst s10  }
0x38: {  	s10 =	sld [smem:$0x3FAF]  }
0x39: {  	_ = 	snop;
	(pc) =	sbr.ind lr, $3  }
0x3a: {  	_ = 	snop  }
0x3b: {  	_ = 	snop  }
0x3c: {  	p2 =	seq.s32 s10, $0x1;
	s10 =	sld [smem:$0x3FAE]  }
0x3d: {  	_ =	shalt  }
0x3e: {  	_ =	shalt  }
0x3f: {  	_ =	shalt  }
0x40: {  	_ =	shalt  }
0x41: {  	_ =	shalt  }
0x42: {  	_ =	shalt  }
0x43: {  	_ =	shalt  }
0x44: {  	_ =	shalt  }
0x45: {  	_ =	shalt  }
0x46: {  	_ =	shalt  }
0x47: {  	_ =	shalt  }
0x48: {  	_ =	shalt  }
0x49: {  	_ =	shalt  }
0x4a: {  	_ =	shalt  }
0x4b: {  	_ =	shalt  }
0x4c: {  	_ =	shalt  }
0x4d: {  	_ =	shalt  }
0x4e: {  	_ =	shalt  }
0x4f: {  	_ =	shalt  }
0x50: {  	_ =	shalt  }
0x51: {  	_ =	shalt  }
0x52: {  	_ =	shalt  }
0x53: {  	_ =	shalt  }
0x54: {  	_ =	shalt  }
0x55: {  	_ =	shalt  }
0x56: {  	_ =	shalt  }
0x57: {  	_ =	shalt  }
0x58: {  	_ =	shalt  }
0x59: {  	_ =	shalt  }
0x5a: {  	_ =	shalt  }
0x5b: {  	_ =	shalt  }
0x5c: {  	_ =	shalt  }
0x5d: {  	_ =	shalt  }
0x5e: {  	_ =	shalt  }
0x5f: {  	_ =	shalt  }
0x60: {  	_ =	shalt  }
0x61: {  	_ =	shalt  }
0x62: {  	_ =	shalt  }
0x63: {  	_ =	shalt  }
0x64: {  	_ =	shalt  }
0x65: {  	_ =	shalt  }
0x66: {  	_ =	shalt  }
0x67: {  	_ =	shalt  }
0x68: {  	_ =	shalt  }
0x69: {  	_ =	shalt  }
0x6a: {  	_ =	shalt  }
0x6b: {  	_ =	shalt  }
0x6c: {  	_ =	shalt  }
0x6d: {  	_ =	shalt  }
0x6e: {  	_ =	shalt  }
0x6f: {  	_ =	shalt  }
0x70: {  	_ =	shalt  }
0x71: {  	_ =	shalt  }
0x72: {  	_ =	shalt  }
0x73: {  	_ =	shalt  }
0x74: {  	_ =	shalt  }
0x75: {  	_ =	shalt  }
0x76: {  	_ =	shalt  }
0x77: {  	_ =	shalt  }
0x78: {  	_ =	shalt  }
0x79: {  	_ =	shalt  }
0x7a: {  	_ =	shalt  }
0x7b: {  	_ =	shalt  }
0x7c: {  	_ =	shalt  }
0x7d: {  	_ =	shalt  }
0x7e: {  	_ =	shalt  }
0x7f: {  	_ =	shalt  }
0x80: {  	_ =	shalt  }
0x81: {  	_ =	shalt  }
0x82: {  	_ =	shalt  }
0x83: {  	_ =	shalt  }
0x84: {  	_ =	shalt  }
0x85: {  	_ =	shalt  }
0x86: {  	_ =	shalt  }
0x87: {  	_ =	shalt  }
.Lfunc_end0:
.L_simem_size_0:
called_computation_lowered:
.L_overlay_start_0:
0x88: {  	s2 =	sld [smem:$0x3FD9]  }
0x89: {  	s3 =	sld [smem:$0x3FFE];
	_ =	sdelay $0x1  }
0x8a: {  	s1 =	srdreg.scid  }
0x8b: {  	s0 =	sand.u32 $0x1, s1  }
0x8c: {  	s17 =	sshll.u32 s0, $0xA;
	s2 =	sadd.s32 s3, s2  }
0x8d: {  	s2 =	sadd.s32 s2, s17  }
0x8e: {  	[smem:$0x3FBA] =	sst s2  }
0x8f: {  	_ = 	snop  }
0x90: {  	s2 =	sld [smem:$0x3FBE]  }
0x91: {  	s18 =	sld [smem:$0x3FBD];
	(tm) =	ssettm $0x1  }
0x92: {  	s4 =	sld [smem:$0x3FFB];
	_ =	sdelay $0x3  }
0x93: {  	_ =	strace s4  }
0x94: {  	s4 =	sld [smem:$0x3FFC];
	_ =	sdelay $0x3  }
0x95: {  	_ =	strace s4  }
0x96: {  	s4 =	sld [smem:$0x3FFD];
	_ =	sdelay $0x3  }
0x97: {  	_ =	strace s4  }
0x98: {  	_ =	strace $0x8FFFFFFF  }
0x99: {  	s19 =	sld [smem:$0x3FDB];
	_ =	sdelay $0x1  }
0x9a: {  	s5 =	simm.s32 $_scs_section_size  }
0x9b: {  	s6 =	simm.s32 $_size__tile_overlayer_lowered;
	s7 =	simm.s32 $_tile_overlayer_lowered  }
0x9c: {  	s22 =	simm.s32 $0x1BFF;
	s21 =	sshll.u32 s7, $0x1;
	s4 =	sadd.s32 s5, s19  }
0x9d: {  	s8 =	simm.s32 $0x0;
	s20 =	sshll.u32 s6, $0x1;
	s6 =	sadd.s32 s21, s4  }
0x9e: {  	[timem:s8], [sflag:s22] =	dma.local [hbm:s6], s20  }
0x9f: {  	_ =	swait.ge [sflag:s22], s20  }
0xa0: {  	s5 =	ssub.s32 $0x0, s20;
	[sflag:s22] =	ssyncset.done $0x0  }
0xa1: {  	[sflag:s22] =	ssyncadd.s32 s5;
	_ =	sdelay $0x1  }
0xa2: {  	s23 =	simm.s32 $0x1B8B  }
0xa3: {  	_ =	swait.ge [sflag:s23], $0x1  }
0xa4: {  	[sflag:s23] =	ssyncset.done $0x0  }
0xa5: {  	s25 =	simm.s32 $0x1B8E;
	s24 =	sld [smem:$0x3FFE];
	[sflag:s23] =	ssyncadd.s32 $0xFFFFFFFF  }
0xa6: {  	s26 =	simm.s32 $execute0_lowered;
	[smem:$0x3FD2] =	sst s25  }
0xa7: {  	s6 =	sshll.u32 s26, $0x1;
	_ =	strace $0x80000046;
	[dreg:$0x1] =	wrdreg $0xFFFFFFFF  }
0xa8: {  	s28 =	simm.s32 $_size_execute0_lowered;
	s4 =	sadd.s32 s4, s6;
	[dreg:$0x0] =	wrdreg $0x0  }
0xa9: {  	s6 =	sshll.u32 s28, $0x1;
	[dreg:$0x2] =	wrdreg s4  }
0xaa: {  	[dreg:$0x3] =	wrdreg s6  }
0xab: {  	[dreg:$0x4] =	wrdreg $0xC0  }
0xac: {  	_ =	task [dreg:s8], $0x5FFFF  }
0xad: {  	[dreg:$0x1] =	wrdreg $0xFFFFFFFF  }
0xae: {  	[dreg:$0x0] =	wrdreg $0x60  }
0xaf: {  	[dreg:$0x2] =	wrdreg s2  }
0xb0: {  	[dreg:$0x3] =	wrdreg s18  }
0xb1: {  	[dreg:$0x4] =	wrdreg s24  }
0xb2: {  	[dreg:$0x5] =	wrdreg $0x7D00  }
0xb3: {  	[dreg:$0x6] =	wrdreg $0x9  }
0xb4: {  	_ =	task.clear_ibuf [dreg:s8], $0x7FFFF;
	_ =	strace $0x90000046  }
0xb5: {  	s29 =	simm.s32 $0x9;
	_ =	strace $0x80000048  }
0xb6: {  	_ =	swait.ge [sflag:s29], $0x1  }
0xb7: {  	[sflag:s29] =	ssyncadd.s32 $0xFFFFFFFF  }
0xb8: {  	_ =	strace $0x90000048  }
0xb9: {  	_ =	sfence  }
0xba: {  	s30 =	sld [smem:$0x0];
	_ =	sdelay $0x2  }
0xbb: {  	s31 =	sshll.u32 s1, $0xD;
	s1 =	sshrl.u32 s1, $0x2  }
0xbc: {  	s3 =	sand.u32 $0x4000, s31;
	s1 =	sadd.s32 s1, s30  }
0xbd: {  	s0 =	sor.u32 s3, s0;
	s1 =	sshll.u32 s1, $0x11  }
0xbe: {  	s0 =	sor.u32 s1, s0  }
0xbf: {  	s0 =	sadd.s32 $0x8F2B, s0  }
0xc0: {  	[sflag:s0] =	ssyncadd.remote.s32 $0x1  }
0xc1: {  	_ =	sfence.sel $0xFFFF  }
0xc2: {  	[dreg:$0x0] =	wrdreg $0xFFFFFFFF;
	(pc) =	sbr.abs _section_cstart, $3  }
0xc3: {  	[dreg:$0x1] =	wrdreg $0xFFFFFFFF  }
0xc4: {  	_ =	task.clear_ibuf [dreg:s8], $0x2FFFF;
	_ =	strace $0x9FFFFFFF  }
0xc5: {  	(tm) =	ssettm $0x7FFFFFFF  }
tec
execute0_lowered:
.L_overlay_start_1:
0x0: {  	(tag) =	ssettag $0x1  }
0x1: {  	s9 =	rddreg [dreg:$0x0]  }
0x2: {  	s4 =	rddreg [dreg:$0x1]  }
0x3: {  	s5 =	rddreg [dreg:$0x2]  }
0x4: {  	s3 =	rddreg [dreg:$0x3]  }
0x5: {  	s0 =	rddreg [dreg:$0x4]  }
0x6: {  	s2 =	simm.s32 $0x0;
	s6 =	srdreg.scid;
	s1 =	stileid.u32  }
0x7: {  	p1 =	por $0x0, $0x0;
	[smem:$0x7FF] =	sst s2;
	s6 =	sand.u32 $0x1, s6  }
0x8: {  	s10 =	smul.u32 $0x7D0, s1;
	s20 =	sadd.s32 $0x2C00, s5;
	s19 =	sadd.s32 $0x2A00, s5  }
0x9: {  	p0 =	sne.s32 s1, $0x0;
	s7 =	smul.u32 $0xFA00, s6;
	s8 =	sshll.u32 s6, $0x4  }
0xa: {  	_ =	strace $0x80000047;
	s6 =	ssub.s32 $0x2, s6;
	s8 =	sor.u32 s1, s8  }
0xb: {  	s11 =	sshrl.u32 s6, $0x1;
	s7 =	sadd.s32 s10, s7;
	s12 =	smul.u32 $0x7D, s8  }
0xc: {  	s11 =	ssub.s32 s6, s11;
	s14 =	smul.u32 $0x2710, s8;
	s6 =	sadd.s32 s10, s3  }
0xd: {  	s7 =	sshrl.u32 s7, $0x3;
	s25 =	sadd.s32 $0x7D00, s6;
	s11 =	smax.u32 s11, $0x1  }
0xe: {  	s13 =	sadd.s32 s7, s5;
	s8 =	sadd.s32 s4, s12;
	s7 =	sadd.s32 $0x7D00, s3  }
0xf: {  	s15 =	sshrl.u32 s14, $0x3;
	s16 =	sadd.s32 $0x3E8, s14;
	s17 =	sadd.s32 $0xBB8, s14  }
0x10: {  	s24 =	sadd.s32 $0x1388, s14;
	s28 =	sadd.s32 $0x1B58, s14;
	s29 =	sadd.s32 $0x2328, s14  }
0x11: {  	s30 =	sadd.s32 $0xFFFFFFFF, s11;
	s11 =	simm.s32 $0x3E8;
	s5 =	sadd.s32 $0x4C00, s13  }
0x12: {  	s4 =	sadd.s32 $0x5BA0, s13;
	s23 =	sadd.s32 s9, s15;
	s10 =	sshrl.u32 s16, $0x3  }
0x13: {  	s18 =	sshrl.u32 s17, $0x3;
	s26 =	sshrl.u32 s24, $0x3;
	p2 =	sne.s32 s30, $0x0  }
.Ltmp0:
0x14: {  	s31 =	sshrl.u32 s29, $0x3;
	s24 =	sshrl.u32 @!p0 s3, $0x3;
	(pc) =	sbr.rel @!p2 .LBB2_3-.Ltmp0, $4  }
0x15: {  	s22 =	sadd.s32 s9, s10;
	s21 =	sadd.s32 $0xFA, s23;
	s18 =	sadd.s32 s9, s18  }
0x16: {  	s17 =	sadd.s32 $0x1F4, s23;
	s16 =	sadd.s32 s9, s26;
	s15 =	sadd.s32 $0x2EE, s23  }
0x17: {  	s10 =	sshrl.u32 s28, $0x3;
	s13 =	sadd.s32 $0x3E8, s23;
	s12 =	sadd.s32 s9, s31  }
0x18: {  	s14 =	sadd.s32 s9, s10;
	s9 =	simm.s32 $0x1;
	s10 =	sshrl.u32 s25, $0x3  }
0x19: {  	s25 =	simm.s32 @!p0 $0x1C01;
	s26 =	simm.s32 @!p0 $0x1  }
0x1a: {  	[spmem:s24], [sflag:s25] =	dma.local @!p0 [hbm:s20], $0x1F40  }
0x1b: {  	_ =	swait.ge @!p0 [sflag:s26], $0x1F40  }
0x1c: {  	[sflag:s26] =	ssyncset.done @!p0 $0x0  }
0x1d: {  	[sflag:s26] =	ssyncadd.s32 @!p0 $0xFFFFE0C0  }
0x1e: {  	[tilespmem:s11], [sflag:$0x1] =	stream.linear.gather [hbm4b:s19+s2], $0x3E8, $0x38;
	[tilespmem:$0x1770] =	vst v63  }
0x1f: {  	_ =	swait.ge [sflag:s9], $0x3E8  }
0x20: {  	[sflag:s9] =	ssyncset.done $0x0  }
0x21: {  	[sflag:s9] =	ssyncadd.s32 $0xFFFFFC18  }
0x22: {  	[bflag:$0x0] =	sbarrier.arrive $0xFFFF  }
0x23: {  	[tilespmem:s2], [sflag:$0x1] =	stream.linear.gather [hbm4b:s23+s2], $0x3E8, $0x38;
	[tilespmem:$0x1770] =	vst v63  }
0x24: {  	_ =	swait.ge [sflag:s9], $0x3E8  }
0x25: {  	[sflag:s9] =	ssyncset.done $0x0  }
0x26: {  	[sflag:s9] =	ssyncadd.s32 $0xFFFFFC18  }
0x27: {  	[spmem:s3] =	stream.indirect.scatter.add.f32 [tilespmem:s11], [sflag:$0x1], $0x1, s2, s11, $0xb8;
	[tilespmem:$0x1770] =	vst v63  }
0x28: {  	_ =	swait.ge [sflag:s9], $0x3E8  }
0x29: {  	[sflag:s9] =	ssyncset.done $0x0  }
0x2a: {  	[sflag:s9] =	ssyncadd.s32 $0xFFFFFC18  }
0x2b: {  	[tilespmem:s2], [sflag:$0x1] =	stream.linear.gather [hbm4b:s22+s2], $0x3E8, $0x38;
	[tilespmem:$0x1770] =	vst v63  }
0x2c: {  	_ =	swait.ge [sflag:s9], $0x3E8  }
0x2d: {  	[sflag:s9] =	ssyncset.done $0x0  }
0x2e: {  	[sflag:s9] =	ssyncadd.s32 $0xFFFFFC18  }
0x2f: {  	[spmem:s3] =	stream.indirect.scatter.add.f32 [tilespmem:s11], [sflag:$0x1], $0x1, s2, s11, $0xb8;
	[tilespmem:$0x1770] =	vst v63  }
0x30: {  	_ =	swait.ge [sflag:s9], $0x3E8  }
0x31: {  	[sflag:s9] =	ssyncset.done $0x0  }
0x32: {  	[sflag:s9] =	ssyncadd.s32 $0xFFFFFC18  }
0x33: {  	[tilespmem:s2], [sflag:$0x1] =	stream.linear.gather [hbm4b:s21+s2], $0x3E8, $0x38;
	[tilespmem:$0x1770] =	vst v63  }
0x34: {  	_ =	swait.ge [sflag:s9], $0x3E8  }
0x35: {  	[sflag:s9] =	ssyncset.done $0x0  }
0x36: {  	[sflag:s9] =	ssyncadd.s32 $0xFFFFFC18  }
0x37: {  	[spmem:s3] =	stream.indirect.scatter.add.f32 [tilespmem:s11], [sflag:$0x1], $0x1, s2, s11, $0xb8;
	[tilespmem:$0x1770] =	vst v63  }
0x38: {  	_ =	swait.ge [sflag:s9], $0x3E8  }
0x39: {  	[sflag:s9] =	ssyncset.done $0x0  }
0x3a: {  	[sflag:s9] =	ssyncadd.s32 $0xFFFFFC18  }
0x3b: {  	[tilespmem:s2], [sflag:$0x1] =	stream.linear.gather [hbm4b:s18+s2], $0x3E8, $0x38;
	[tilespmem:$0x1770] =	vst v63  }
0x3c: {  	_ =	swait.ge [sflag:s9], $0x3E8  }
0x3d: {  	[sflag:s9] =	ssyncset.done $0x0  }
0x3e: {  	[sflag:s9] =	ssyncadd.s32 $0xFFFFFC18  }
0x3f: {  	[spmem:s3] =	stream.indirect.scatter.add.f32 [tilespmem:s11], [sflag:$0x1], $0x1, s2, s11, $0xb8;
	[tilespmem:$0x1770] =	vst v63  }
0x40: {  	_ =	swait.ge [sflag:s9], $0x3E8  }
0x41: {  	[sflag:s9] =	ssyncset.done $0x0  }
0x42: {  	[sflag:s9] =	ssyncadd.s32 $0xFFFFFC18  }
0x43: {  	[tilespmem:s2], [sflag:$0x1] =	stream.linear.gather [hbm4b:s17+s2], $0x3E8, $0x38;
	[tilespmem:$0x1770] =	vst v63  }
0x44: {  	_ =	swait.ge [sflag:s9], $0x3E8  }
0x45: {  	[sflag:s9] =	ssyncset.done $0x0  }
0x46: {  	[sflag:s9] =	ssyncadd.s32 $0xFFFFFC18  }
0x47: {  	[spmem:s3] =	stream.indirect.scatter.add.f32 [tilespmem:s11], [sflag:$0x1], $0x1, s2, s11, $0xb8;
	[tilespmem:$0x1770] =	vst v63  }
0x48: {  	_ =	swait.ge [sflag:s9], $0x3E8  }
0x49: {  	[sflag:s9] =	ssyncset.done $0x0  }
0x4a: {  	[sflag:s9] =	ssyncadd.s32 $0xFFFFFC18  }
0x4b: {  	[tilespmem:s2], [sflag:$0x1] =	stream.linear.gather [hbm4b:s16+s2], $0x3E8, $0x38;
	[tilespmem:$0x1770] =	vst v63  }
0x4c: {  	_ =	swait.ge [sflag:s9], $0x3E8  }
0x4d: {  	[sflag:s9] =	ssyncset.done $0x0  }
0x4e: {  	[sflag:s9] =	ssyncadd.s32 $0xFFFFFC18  }
0x4f: {  	[spmem:s3] =	stream.indirect.scatter.add.f32 [tilespmem:s11], [sflag:$0x1], $0x1, s2, s11, $0xb8;
	[tilespmem:$0x1770] =	vst v63  }
0x50: {  	_ =	swait.ge [sflag:s9], $0x3E8  }
0x51: {  	[sflag:s9] =	ssyncset.done $0x0  }
0x52: {  	[sflag:s9] =	ssyncadd.s32 $0xFFFFFC18  }
0x53: {  	[tilespmem:s2], [sflag:$0x1] =	stream.linear.gather [hbm4b:s15+s2], $0x3E8, $0x38;
	[tilespmem:$0x1770] =	vst v63  }
0x54: {  	_ =	swait.ge [sflag:s9], $0x3E8  }
0x55: {  	[sflag:s9] =	ssyncset.done $0x0  }
0x56: {  	[sflag:s9] =	ssyncadd.s32 $0xFFFFFC18  }
0x57: {  	[spmem:s3] =	stream.indirect.scatter.add.f32 [tilespmem:s11], [sflag:$0x1], $0x1, s2, s11, $0xb8;
	[tilespmem:$0x1770] =	vst v63  }
0x58: {  	_ =	swait.ge [sflag:s9], $0x3E8  }
0x59: {  	[sflag:s9] =	ssyncset.done $0x0  }
0x5a: {  	[sflag:s9] =	ssyncadd.s32 $0xFFFFFC18  }
0x5b: {  	[tilespmem:s2], [sflag:$0x1] =	stream.linear.gather [hbm4b:s14+s2], $0x3E8, $0x38;
	[tilespmem:$0x1770] =	vst v63  }
0x5c: {  	_ =	swait.ge [sflag:s9], $0x3E8  }
0x5d: {  	[sflag:s9] =	ssyncset.done $0x0  }
0x5e: {  	[sflag:s9] =	ssyncadd.s32 $0xFFFFFC18  }
0x5f: {  	[spmem:s3] =	stream.indirect.scatter.add.f32 [tilespmem:s11], [sflag:$0x1], $0x1, s2, s11, $0xb8;
	[tilespmem:$0x1770] =	vst v63  }
0x60: {  	_ =	swait.ge [sflag:s9], $0x3E8  }
0x61: {  	[sflag:s9] =	ssyncset.done $0x0  }
0x62: {  	[sflag:s9] =	ssyncadd.s32 $0xFFFFFC18  }
0x63: {  	[tilespmem:s2], [sflag:$0x1] =	stream.linear.gather [hbm4b:s13+s2], $0x3E8, $0x38;
	[tilespmem:$0x1770] =	vst v63  }
0x64: {  	_ =	swait.ge [sflag:s9], $0x3E8  }
0x65: {  	[sflag:s9] =	ssyncset.done $0x0  }
0x66: {  	[sflag:s9] =	ssyncadd.s32 $0xFFFFFC18  }
0x67: {  	[spmem:s3] =	stream.indirect.scatter.add.f32 [tilespmem:s11], [sflag:$0x1], $0x1, s2, s11, $0xb8;
	[tilespmem:$0x1770] =	vst v63  }
0x68: {  	_ =	swait.ge [sflag:s9], $0x3E8  }
0x69: {  	[sflag:s9] =	ssyncset.done $0x0  }
0x6a: {  	[sflag:s9] =	ssyncadd.s32 $0xFFFFFC18  }
0x6b: {  	[tilespmem:s2], [sflag:$0x1] =	stream.linear.gather [hbm4b:s12+s2], $0x3E8, $0x38;
	[tilespmem:$0x1770] =	vst v63  }
0x6c: {  	_ =	swait.ge [sflag:s9], $0x3E8  }
0x6d: {  	[sflag:s9] =	ssyncset.done $0x0  }
0x6e: {  	[sflag:s9] =	ssyncadd.s32 $0xFFFFFC18  }
0x6f: {  	[spmem:s3] =	stream.indirect.scatter.add.f32 [tilespmem:s11], [sflag:$0x1], $0x1, s2, s11, $0xb8;
	[tilespmem:$0x1770] =	vst v63  }
0x70: {  	_ =	swait.ge [sflag:s9], $0x3E8  }
0x71: {  	[sflag:s9] =	ssyncset.done $0x0  }
0x72: {  	[sflag:s9] =	ssyncadd.s32 $0xFFFFFC18  }
0x73: {  	[tilespmem:s2], [sflag:$0x1] =	stream.linear.gather [hbm4b:s8+s2], $0x3E8, $0x38;
	[tilespmem:$0x1770] =	vst v63  }
0x74: {  	_ =	swait.ge [sflag:s9], $0x3E8  }
0x75: {  	[sflag:s9] =	ssyncset.done $0x0  }
0x76: {  	[sflag:s9] =	ssyncadd.s32 $0xFFFFFC18  }
0x77: {  	[spmem:s7] =	stream.indirect.scatter.add.f32 [tilespmem:s11], [sflag:$0x1], $0x1, s2, s11, $0xb8;
	[tilespmem:$0x1770] =	vst v63  }
0x78: {  	_ =	swait.ge [sflag:s9], $0x3E8  }
0x79: {  	[sflag:s9] =	ssyncset.done $0x0  }
0x7a: {  	s28 =	sshll.u32 s1, $0x6;
	s29 =	sshrl.u32 s6, $0x3;
	[sflag:s9] =	ssyncadd.s32 $0xFFFFFC18  }
0x7b: {  	s30 =	sadd.s32 $0xFFFFFFFF, s30;
	s28 =	sor.u32 $0x1C01, s28;
	[bflag:$0x0] =	sbarrier.arrive $0xFFFF  }
0x7c: {  	[hbm:s5], [sflag:s28] =	dma.local [spmem:s29], $0xFA  }
0x7d: {  	p2 =	sne.s32 s30, $0x0;
	_ =	swait.ge [sflag:s9], $0xFA  }
.Ltmp1:
0x7e: {  	[sflag:s9] =	ssyncset.done $0x0;
	(pc) =	sbr.rel @!p2 .LBB2_3-.Ltmp1, $4  }
0x7f: {  	[sflag:s9] =	ssyncadd.s32 $0xFFFFFF06  }
0x80: {  	[hbm:s4], [sflag:s28] =	dma.local [spmem:s10], $0xFA  }
0x81: {  	_ =	swait.ge [sflag:s9], $0xFA  }
0x82: {  	p1 =	por $0x1, $0x1;
	[sflag:s9] =	ssyncset.done $0x0  }
.LBB2_2:
0x83: {  	[sflag:s9] =	ssyncadd.s32 $0xFFFFFF06  }
0x84: {  	[spmem:s24], [sflag:s25] =	dma.local @!p0 [hbm:s20], $0x1F40  }
0x85: {  	s30 =	sadd.s32 $0xFFFFFFFF, s30;
	_ =	swait.ge @!p0 [sflag:s26], $0x1F40  }
0x86: {  	p2 =	sne.s32 s30, $0x0;
	[sflag:s26] =	ssyncset.done @!p0 $0x0  }
0x87: {  	[sflag:s26] =	ssyncadd.s32 @!p0 $0xFFFFE0C0  }
0x88: {  	[tilespmem:s11], [sflag:$0x1] =	stream.linear.gather [hbm4b:s19+s2], $0x3E8, $0x38;
	[tilespmem:$0x1770] =	vst v63  }
0x89: {  	_ =	swait.ge [sflag:s9], $0x3E8  }
0x8a: {  	[sflag:s9] =	ssyncset.done $0x0  }
0x8b: {  	[sflag:s9] =	ssyncadd.s32 $0xFFFFFC18  }
0x8c: {  	[bflag:$0x0] =	sbarrier.arrive $0xFFFF  }
0x8d: {  	[tilespmem:s2], [sflag:$0x1] =	stream.linear.gather [hbm4b:s23+s2], $0x3E8, $0x38;
	[tilespmem:$0x1770] =	vst v63  }
0x8e: {  	_ =	swait.ge [sflag:s9], $0x3E8  }
0x8f: {  	[sflag:s9] =	ssyncset.done $0x0  }
0x90: {  	[sflag:s9] =	ssyncadd.s32 $0xFFFFFC18  }
0x91: {  	[spmem:s3] =	stream.indirect.scatter.add.f32 [tilespmem:s11], [sflag:$0x1], $0x1, s2, s11, $0xb8;
	[tilespmem:$0x1770] =	vst v63  }
0x92: {  	_ =	swait.ge [sflag:s9], $0x3E8  }
0x93: {  	[sflag:s9] =	ssyncset.done $0x0  }
0x94: {  	[sflag:s9] =	ssyncadd.s32 $0xFFFFFC18  }
0x95: {  	[tilespmem:s2], [sflag:$0x1] =	stream.linear.gather [hbm4b:s22+s2], $0x3E8, $0x38;
	[tilespmem:$0x1770] =	vst v63  }
0x96: {  	_ =	swait.ge [sflag:s9], $0x3E8  }
0x97: {  	[sflag:s9] =	ssyncset.done $0x0  }
0x98: {  	[sflag:s9] =	ssyncadd.s32 $0xFFFFFC18  }
0x99: {  	[spmem:s3] =	stream.indirect.scatter.add.f32 [tilespmem:s11], [sflag:$0x1], $0x1, s2, s11, $0xb8;
	[tilespmem:$0x1770] =	vst v63  }
0x9a: {  	_ =	swait.ge [sflag:s9], $0x3E8  }
0x9b: {  	[sflag:s9] =	ssyncset.done $0x0  }
0x9c: {  	[sflag:s9] =	ssyncadd.s32 $0xFFFFFC18  }
0x9d: {  	[tilespmem:s2], [sflag:$0x1] =	stream.linear.gather [hbm4b:s21+s2], $0x3E8, $0x38;
	[tilespmem:$0x1770] =	vst v63  }
0x9e: {  	_ =	swait.ge [sflag:s9], $0x3E8  }
0x9f: {  	[sflag:s9] =	ssyncset.done $0x0  }
0xa0: {  	[sflag:s9] =	ssyncadd.s32 $0xFFFFFC18  }
0xa1: {  	[spmem:s3] =	stream.indirect.scatter.add.f32 [tilespmem:s11], [sflag:$0x1], $0x1, s2, s11, $0xb8;
	[tilespmem:$0x1770] =	vst v63  }
0xa2: {  	_ =	swait.ge [sflag:s9], $0x3E8  }
0xa3: {  	[sflag:s9] =	ssyncset.done $0x0  }
0xa4: {  	[sflag:s9] =	ssyncadd.s32 $0xFFFFFC18  }
0xa5: {  	[tilespmem:s2], [sflag:$0x1] =	stream.linear.gather [hbm4b:s18+s2], $0x3E8, $0x38;
	[tilespmem:$0x1770] =	vst v63  }
0xa6: {  	_ =	swait.ge [sflag:s9], $0x3E8  }
0xa7: {  	[sflag:s9] =	ssyncset.done $0x0  }
0xa8: {  	[sflag:s9] =	ssyncadd.s32 $0xFFFFFC18  }
0xa9: {  	[spmem:s3] =	stream.indirect.scatter.add.f32 [tilespmem:s11], [sflag:$0x1], $0x1, s2, s11, $0xb8;
	[tilespmem:$0x1770] =	vst v63  }
0xaa: {  	_ =	swait.ge [sflag:s9], $0x3E8  }
0xab: {  	[sflag:s9] =	ssyncset.done $0x0  }
0xac: {  	[sflag:s9] =	ssyncadd.s32 $0xFFFFFC18  }
0xad: {  	[tilespmem:s2], [sflag:$0x1] =	stream.linear.gather [hbm4b:s17+s2], $0x3E8, $0x38;
	[tilespmem:$0x1770] =	vst v63  }
0xae: {  	_ =	swait.ge [sflag:s9], $0x3E8  }
0xaf: {  	[sflag:s9] =	ssyncset.done $0x0  }
0xb0: {  	[sflag:s9] =	ssyncadd.s32 $0xFFFFFC18  }
0xb1: {  	[spmem:s3] =	stream.indirect.scatter.add.f32 [tilespmem:s11], [sflag:$0x1], $0x1, s2, s11, $0xb8;
	[tilespmem:$0x1770] =	vst v63  }
0xb2: {  	_ =	swait.ge [sflag:s9], $0x3E8  }
0xb3: {  	[sflag:s9] =	ssyncset.done $0x0  }
0xb4: {  	[sflag:s9] =	ssyncadd.s32 $0xFFFFFC18  }
0xb5: {  	[tilespmem:s2], [sflag:$0x1] =	stream.linear.gather [hbm4b:s16+s2], $0x3E8, $0x38;
	[tilespmem:$0x1770] =	vst v63  }
0xb6: {  	_ =	swait.ge [sflag:s9], $0x3E8  }
0xb7: {  	[sflag:s9] =	ssyncset.done $0x0  }
0xb8: {  	[sflag:s9] =	ssyncadd.s32 $0xFFFFFC18  }
0xb9: {  	[spmem:s3] =	stream.indirect.scatter.add.f32 [tilespmem:s11], [sflag:$0x1], $0x1, s2, s11, $0xb8;
	[tilespmem:$0x1770] =	vst v63  }
0xba: {  	_ =	swait.ge [sflag:s9], $0x3E8  }
0xbb: {  	[sflag:s9] =	ssyncset.done $0x0  }
0xbc: {  	[sflag:s9] =	ssyncadd.s32 $0xFFFFFC18  }
0xbd: {  	[tilespmem:s2], [sflag:$0x1] =	stream.linear.gather [hbm4b:s15+s2], $0x3E8, $0x38;
	[tilespmem:$0x1770] =	vst v63  }
0xbe: {  	_ =	swait.ge [sflag:s9], $0x3E8  }
0xbf: {  	[sflag:s9] =	ssyncset.done $0x0  }
0xc0: {  	[sflag:s9] =	ssyncadd.s32 $0xFFFFFC18  }
0xc1: {  	[spmem:s3] =	stream.indirect.scatter.add.f32 [tilespmem:s11], [sflag:$0x1], $0x1, s2, s11, $0xb8;
	[tilespmem:$0x1770] =	vst v63  }
0xc2: {  	_ =	swait.ge [sflag:s9], $0x3E8  }
0xc3: {  	[sflag:s9] =	ssyncset.done $0x0  }
0xc4: {  	[sflag:s9] =	ssyncadd.s32 $0xFFFFFC18  }
0xc5: {  	[tilespmem:s2], [sflag:$0x1] =	stream.linear.gather [hbm4b:s14+s2], $0x3E8, $0x38;
	[tilespmem:$0x1770] =	vst v63  }
0xc6: {  	_ =	swait.ge [sflag:s9], $0x3E8  }
0xc7: {  	[sflag:s9] =	ssyncset.done $0x0  }
0xc8: {  	[sflag:s9] =	ssyncadd.s32 $0xFFFFFC18  }
0xc9: {  	[spmem:s3] =	stream.indirect.scatter.add.f32 [tilespmem:s11], [sflag:$0x1], $0x1, s2, s11, $0xb8;
	[tilespmem:$0x1770] =	vst v63  }
0xca: {  	_ =	swait.ge [sflag:s9], $0x3E8  }
0xcb: {  	[sflag:s9] =	ssyncset.done $0x0  }
0xcc: {  	[sflag:s9] =	ssyncadd.s32 $0xFFFFFC18  }
0xcd: {  	[tilespmem:s2], [sflag:$0x1] =	stream.linear.gather [hbm4b:s13+s2], $0x3E8, $0x38;
	[tilespmem:$0x1770] =	vst v63  }
0xce: {  	_ =	swait.ge [sflag:s9], $0x3E8  }
0xcf: {  	[sflag:s9] =	ssyncset.done $0x0  }
0xd0: {  	[sflag:s9] =	ssyncadd.s32 $0xFFFFFC18  }
0xd1: {  	[spmem:s3] =	stream.indirect.scatter.add.f32 [tilespmem:s11], [sflag:$0x1], $0x1, s2, s11, $0xb8;
	[tilespmem:$0x1770] =	vst v63  }
0xd2: {  	_ =	swait.ge [sflag:s9], $0x3E8  }
0xd3: {  	[sflag:s9] =	ssyncset.done $0x0  }
0xd4: {  	[sflag:s9] =	ssyncadd.s32 $0xFFFFFC18  }
0xd5: {  	[tilespmem:s2], [sflag:$0x1] =	stream.linear.gather [hbm4b:s12+s2], $0x3E8, $0x38;
	[tilespmem:$0x1770] =	vst v63  }
0xd6: {  	_ =	swait.ge [sflag:s9], $0x3E8  }
0xd7: {  	[sflag:s9] =	ssyncset.done $0x0  }
0xd8: {  	[sflag:s9] =	ssyncadd.s32 $0xFFFFFC18  }
0xd9: {  	[spmem:s3] =	stream.indirect.scatter.add.f32 [tilespmem:s11], [sflag:$0x1], $0x1, s2, s11, $0xb8;
	[tilespmem:$0x1770] =	vst v63  }
0xda: {  	_ =	swait.ge [sflag:s9], $0x3E8  }
0xdb: {  	[sflag:s9] =	ssyncset.done $0x0  }
0xdc: {  	[sflag:s9] =	ssyncadd.s32 $0xFFFFFC18  }
0xdd: {  	[tilespmem:s2], [sflag:$0x1] =	stream.linear.gather [hbm4b:s8+s2], $0x3E8, $0x38;
	[tilespmem:$0x1770] =	vst v63  }
0xde: {  	_ =	swait.ge [sflag:s9], $0x3E8  }
0xdf: {  	[sflag:s9] =	ssyncset.done $0x0  }
0xe0: {  	[sflag:s9] =	ssyncadd.s32 $0xFFFFFC18  }
0xe1: {  	[spmem:s7] =	stream.indirect.scatter.add.f32 [tilespmem:s11], [sflag:$0x1], $0x1, s2, s11, $0xb8;
	[tilespmem:$0x1770] =	vst v63  }
0xe2: {  	_ =	swait.ge [sflag:s9], $0x3E8  }
0xe3: {  	[sflag:s9] =	ssyncset.done $0x0  }
0xe4: {  	[sflag:s9] =	ssyncadd.s32 $0xFFFFFC18  }
0xe5: {  	[bflag:$0x0] =	sbarrier.arrive $0xFFFF  }
0xe6: {  	[hbm:s5], [sflag:s28] =	dma.local [spmem:s29], $0xFA  }
0xe7: {  	_ =	swait.ge [sflag:s9], $0xFA  }
.Ltmp2:
0xe8: {  	[sflag:s9] =	ssyncset.done $0x0;
	(pc) =	sbr.rel @p2 .LBB2_2-.Ltmp2, $4  }
0xe9: {  	[sflag:s9] =	ssyncadd.s32 $0xFFFFFF06  }
0xea: {  	[hbm:s4], [sflag:s28] =	dma.local [spmem:s10], $0xFA  }
0xeb: {  	_ =	swait.ge [sflag:s9], $0xFA  }
0xec: {  	[sflag:s9] =	ssyncset.done $0x0  }
.LBB2_3:
0xed: {  	s25 =	simm.s32 @!p0 $0x1C01;
	[sflag:s9] =	ssyncadd.s32 @p1 $0xFFFFFF06  }
0xee: {  	[spmem:s24], [sflag:s25] =	dma.local @!p0 [hbm:s20], $0x1F40  }
0xef: {  	s20 =	simm.s32 @!p0 $0x1  }
0xf0: {  	_ =	swait.ge @!p0 [sflag:s20], $0x1F40  }
0xf1: {  	[sflag:s20] =	ssyncset.done @!p0 $0x0  }
0xf2: {  	[sflag:s20] =	ssyncadd.s32 @!p0 $0xFFFFE0C0  }
0xf3: {  	[tilespmem:s11], [sflag:$0x1] =	stream.linear.gather [hbm4b:s19+s2], $0x3E8, $0x38;
	[tilespmem:$0x1770] =	vst v63  }
0xf4: {  	_ =	swait.ge [sflag:s9], $0x3E8  }
0xf5: {  	[sflag:s9] =	ssyncset.done $0x0  }
0xf6: {  	[sflag:s9] =	ssyncadd.s32 $0xFFFFFC18  }
0xf7: {  	[bflag:$0x0] =	sbarrier.arrive $0xFFFF  }
0xf8: {  	[tilespmem:s2], [sflag:$0x1] =	stream.linear.gather [hbm4b:s23+s2], $0x3E8, $0x38;
	[tilespmem:$0x1770] =	vst v63  }
0xf9: {  	_ =	swait.ge [sflag:s9], $0x3E8  }
0xfa: {  	[sflag:s9] =	ssyncset.done $0x0  }
0xfb: {  	[sflag:s9] =	ssyncadd.s32 $0xFFFFFC18  }
0xfc: {  	[spmem:s3] =	stream.indirect.scatter.add.f32 [tilespmem:s11], [sflag:$0x1], $0x1, s2, s11, $0xb8;
	[tilespmem:$0x1770] =	vst v63  }
0xfd: {  	_ =	swait.ge [sflag:s9], $0x3E8  }
0xfe: {  	[sflag:s9] =	ssyncset.done $0x0  }
0xff: {  	[sflag:s9] =	ssyncadd.s32 $0xFFFFFC18  }
0x100: {  	[tilespmem:s2], [sflag:$0x1] =	stream.linear.gather [hbm4b:s22+s2], $0x3E8, $0x38;
	[tilespmem:$0x1770] =	vst v63  }
0x101: {  	_ =	swait.ge [sflag:s9], $0x3E8  }
0x102: {  	[sflag:s9] =	ssyncset.done $0x0  }
0x103: {  	[sflag:s9] =	ssyncadd.s32 $0xFFFFFC18  }
0x104: {  	[spmem:s3] =	stream.indirect.scatter.add.f32 [tilespmem:s11], [sflag:$0x1], $0x1, s2, s11, $0xb8;
	[tilespmem:$0x1770] =	vst v63  }
0x105: {  	_ =	swait.ge [sflag:s9], $0x3E8  }
0x106: {  	[sflag:s9] =	ssyncset.done $0x0  }
0x107: {  	[sflag:s9] =	ssyncadd.s32 $0xFFFFFC18  }
0x108: {  	[tilespmem:s2], [sflag:$0x1] =	stream.linear.gather [hbm4b:s21+s2], $0x3E8, $0x38;
	[tilespmem:$0x1770] =	vst v63  }
0x109: {  	_ =	swait.ge [sflag:s9], $0x3E8  }
0x10a: {  	[sflag:s9] =	ssyncset.done $0x0  }
0x10b: {  	[sflag:s9] =	ssyncadd.s32 $0xFFFFFC18  }
0x10c: {  	[spmem:s3] =	stream.indirect.scatter.add.f32 [tilespmem:s11], [sflag:$0x1], $0x1, s2, s11, $0xb8;
	[tilespmem:$0x1770] =	vst v63  }
0x10d: {  	_ =	swait.ge [sflag:s9], $0x3E8  }
0x10e: {  	[sflag:s9] =	ssyncset.done $0x0  }
0x10f: {  	[sflag:s9] =	ssyncadd.s32 $0xFFFFFC18  }
0x110: {  	[tilespmem:s2], [sflag:$0x1] =	stream.linear.gather [hbm4b:s18+s2], $0x3E8, $0x38;
	[tilespmem:$0x1770] =	vst v63  }
0x111: {  	_ =	swait.ge [sflag:s9], $0x3E8  }
0x112: {  	[sflag:s9] =	ssyncset.done $0x0  }
0x113: {  	[sflag:s9] =	ssyncadd.s32 $0xFFFFFC18  }
0x114: {  	[spmem:s3] =	stream.indirect.scatter.add.f32 [tilespmem:s11], [sflag:$0x1], $0x1, s2, s11, $0xb8;
	[tilespmem:$0x1770] =	vst v63  }
0x115: {  	_ =	swait.ge [sflag:s9], $0x3E8  }
0x116: {  	[sflag:s9] =	ssyncset.done $0x0  }
0x117: {  	[sflag:s9] =	ssyncadd.s32 $0xFFFFFC18  }
0x118: {  	[tilespmem:s2], [sflag:$0x1] =	stream.linear.gather [hbm4b:s17+s2], $0x3E8, $0x38;
	[tilespmem:$0x1770] =	vst v63  }
0x119: {  	_ =	swait.ge [sflag:s9], $0x3E8  }
0x11a: {  	[sflag:s9] =	ssyncset.done $0x0  }
0x11b: {  	[sflag:s9] =	ssyncadd.s32 $0xFFFFFC18  }
0x11c: {  	[spmem:s3] =	stream.indirect.scatter.add.f32 [tilespmem:s11], [sflag:$0x1], $0x1, s2, s11, $0xb8;
	[tilespmem:$0x1770] =	vst v63  }
0x11d: {  	_ =	swait.ge [sflag:s9], $0x3E8  }
0x11e: {  	[sflag:s9] =	ssyncset.done $0x0  }
0x11f: {  	[sflag:s9] =	ssyncadd.s32 $0xFFFFFC18  }
0x120: {  	[tilespmem:s2], [sflag:$0x1] =	stream.linear.gather [hbm4b:s16+s2], $0x3E8, $0x38;
	[tilespmem:$0x1770] =	vst v63  }
0x121: {  	_ =	swait.ge [sflag:s9], $0x3E8  }
0x122: {  	[sflag:s9] =	ssyncset.done $0x0  }
0x123: {  	[sflag:s9] =	ssyncadd.s32 $0xFFFFFC18  }
0x124: {  	[spmem:s3] =	stream.indirect.scatter.add.f32 [tilespmem:s11], [sflag:$0x1], $0x1, s2, s11, $0xb8;
	[tilespmem:$0x1770] =	vst v63  }
0x125: {  	_ =	swait.ge [sflag:s9], $0x3E8  }
0x126: {  	[sflag:s9] =	ssyncset.done $0x0  }
0x127: {  	[sflag:s9] =	ssyncadd.s32 $0xFFFFFC18  }
0x128: {  	[tilespmem:s2], [sflag:$0x1] =	stream.linear.gather [hbm4b:s15+s2], $0x3E8, $0x38;
	[tilespmem:$0x1770] =	vst v63  }
0x129: {  	_ =	swait.ge [sflag:s9], $0x3E8  }
0x12a: {  	[sflag:s9] =	ssyncset.done $0x0  }
0x12b: {  	[sflag:s9] =	ssyncadd.s32 $0xFFFFFC18  }
0x12c: {  	[spmem:s3] =	stream.indirect.scatter.add.f32 [tilespmem:s11], [sflag:$0x1], $0x1, s2, s11, $0xb8;
	[tilespmem:$0x1770] =	vst v63  }
0x12d: {  	_ =	swait.ge [sflag:s9], $0x3E8  }
0x12e: {  	[sflag:s9] =	ssyncset.done $0x0  }
0x12f: {  	[sflag:s9] =	ssyncadd.s32 $0xFFFFFC18  }
0x130: {  	[tilespmem:s2], [sflag:$0x1] =	stream.linear.gather [hbm4b:s14+s2], $0x3E8, $0x38;
	[tilespmem:$0x1770] =	vst v63  }
0x131: {  	_ =	swait.ge [sflag:s9], $0x3E8  }
0x132: {  	[sflag:s9] =	ssyncset.done $0x0  }
0x133: {  	[sflag:s9] =	ssyncadd.s32 $0xFFFFFC18  }
0x134: {  	[spmem:s3] =	stream.indirect.scatter.add.f32 [tilespmem:s11], [sflag:$0x1], $0x1, s2, s11, $0xb8;
	[tilespmem:$0x1770] =	vst v63  }
0x135: {  	_ =	swait.ge [sflag:s9], $0x3E8  }
0x136: {  	[sflag:s9] =	ssyncset.done $0x0  }
0x137: {  	[sflag:s9] =	ssyncadd.s32 $0xFFFFFC18  }
0x138: {  	[tilespmem:s2], [sflag:$0x1] =	stream.linear.gather [hbm4b:s13+s2], $0x3E8, $0x38;
	[tilespmem:$0x1770] =	vst v63  }
0x139: {  	_ =	swait.ge [sflag:s9], $0x3E8  }
0x13a: {  	[sflag:s9] =	ssyncset.done $0x0  }
0x13b: {  	[sflag:s9] =	ssyncadd.s32 $0xFFFFFC18  }
0x13c: {  	[spmem:s3] =	stream.indirect.scatter.add.f32 [tilespmem:s11], [sflag:$0x1], $0x1, s2, s11, $0xb8;
	[tilespmem:$0x1770] =	vst v63  }
0x13d: {  	_ =	swait.ge [sflag:s9], $0x3E8  }
0x13e: {  	[sflag:s9] =	ssyncset.done $0x0  }
0x13f: {  	[sflag:s9] =	ssyncadd.s32 $0xFFFFFC18  }
0x140: {  	[tilespmem:s2], [sflag:$0x1] =	stream.linear.gather [hbm4b:s12+s2], $0x3E8, $0x38;
	[tilespmem:$0x1770] =	vst v63  }
0x141: {  	_ =	swait.ge [sflag:s9], $0x3E8  }
0x142: {  	[sflag:s9] =	ssyncset.done $0x0  }
0x143: {  	[sflag:s9] =	ssyncadd.s32 $0xFFFFFC18  }
0x144: {  	[spmem:s3] =	stream.indirect.scatter.add.f32 [tilespmem:s11], [sflag:$0x1], $0x1, s2, s11, $0xb8;
	[tilespmem:$0x1770] =	vst v63  }
0x145: {  	_ =	swait.ge [sflag:s9], $0x3E8  }
0x146: {  	[sflag:s9] =	ssyncset.done $0x0  }
0x147: {  	[sflag:s9] =	ssyncadd.s32 $0xFFFFFC18  }
0x148: {  	[tilespmem:s2], [sflag:$0x1] =	stream.linear.gather [hbm4b:s8+s2], $0x3E8, $0x38;
	[tilespmem:$0x1770] =	vst v63  }
0x149: {  	_ =	swait.ge [sflag:s9], $0x3E8  }
0x14a: {  	[sflag:s9] =	ssyncset.done $0x0  }
0x14b: {  	[sflag:s9] =	ssyncadd.s32 $0xFFFFFC18  }
0x14c: {  	[spmem:s7] =	stream.indirect.scatter.add.f32 [tilespmem:s11], [sflag:$0x1], $0x1, s2, s11, $0xb8;
	[tilespmem:$0x1770] =	vst v63  }
0x14d: {  	_ =	swait.ge [sflag:s9], $0x3E8  }
0x14e: {  	[sflag:s9] =	ssyncset.done $0x0  }
0x14f: {  	s1 =	sshll.u32 s1, $0x6;
	[sflag:s9] =	ssyncadd.s32 $0xFFFFFC18  }
0x150: {  	s31 =	sshrl.u32 s6, $0x3;
	s1 =	sor.u32 $0x1C01, s1;
	[bflag:$0x0] =	sbarrier.arrive $0xFFFF  }
0x151: {  	[hbm:s5], [sflag:s1] =	dma.local [spmem:s31], $0xFA  }
0x152: {  	_ =	swait.ge [sflag:s9], $0xFA  }
0x153: {  	[sflag:s9] =	ssyncset.done $0x0  }
0x154: {  	[sflag:s9] =	ssyncadd.s32 $0xFFFFFF06  }
0x155: {  	[hbm:s4], [sflag:s1] =	dma.local [spmem:s10], $0xFA  }
0x156: {  	_ =	swait.ge [sflag:s9], $0xFA  }
0x157: {  	[sflag:s9] =	ssyncset.done $0x0  }
0x158: {  	[sflag:s9] =	ssyncadd.s32 $0xFFFFFF06  }
0x159: {  	_ =	sfence.sel $0x180000  }
0x15a: {  	[bflag:$0x0] =	sbarrier.arrive $0xFFFF  }
0x15b: {  	_ =	strace $0x90000047  }
0x15c: {  	s0 =	sadd.s32 @!p0 $0x100000, s0;
	[bflag:$0x2] =	sbarrier.arrive $0xFFFF  }
0x15d: {  	[sflag:s0] =	ssyncadd.tile.s32 @!p0 $0x1;
	_ =	shalt  }
.Lfunc_end2:
_tile_overlayer_lowered:
.L_overlay_start_2:
0x15e: {  	(tag) =	ssettag $0x2  }
0x15f: {  	s0 =	rddreg [dreg:$0x0];
	s2 =	stileid.u32  }
0x160: {  	s1 =	rddreg [dreg:$0x1];
	p0 =	sne.s32 s2, $0x0  }
0x161: {  	s3 =	rddreg [dreg:$0x2];
	[bflag:$0x3] =	sbarrier.arrive $0xFFFF;
	s2 =	simm.s32 @!p0 $0x1C01  }
0x162: {  	[timem:s3], [sflag:s2] =	dma.local @!p0 [hbm:s0], s1  }
0x163: {  	s0 =	simm.s32 @!p0 $0x1  }
0x164: {  	_ =	swait.ge @!p0 [sflag:s0], s1  }
0x165: {  	s1 =	ssub.s32 @!p0 $0x0, s1;
	[sflag:s0] =	ssyncset.done @!p0 $0x0  }
0x166: {  	[sflag:s0] =	ssyncadd.s32 @!p0 s1  }
0x167: {  	[bflag:$0x3] =	sbarrier.arrive $0xFFFF  }
0x168: {  	_ =	shalt  }

</sc_bundles>
